<compile_context>
chip_gen: v7x
topology: tpu7x:2x2x1
jax: 0.10.2.dev20260603
libtpu: 0.0.44.dev20260713+nightly
codegen_flags: <defaults>
</compile_context>

<pallas_src>
import jax
import jax.numpy as jnp
from jax import lax
from jax.experimental import pallas as pl
from jax.experimental.pallas import tpu as pltpu
from jax.experimental.pallas import tpu_sc as plsc

N, D = 10000, 128
LAMB = 0.7
CH = 80
NCHUNK = N // CH
NW = 32
NITER = (NCHUNK + NW - 1) // NW


def _mix_body(x_hbm, idx_hbm, out_hbm,
              idx_v, xa0, xa1, xb0, xb1,
              isem, dsem0, dsem1, ssem0, ssem1):
    info = plsc.get_sparse_core_info()
    wid = lax.axis_index("s") * info.num_cores + lax.axis_index("c")

    xa = (xa0, xa1)
    xb = (xb0, xb1)
    dsem = (dsem0, dsem1)
    ssem = (ssem0, ssem1)

    last = NCHUNK - 1
    base = [None] * NITER
    icopy = [None] * NITER
    for i in range(NITER):
        c = jnp.minimum(wid + i * NW, last)
        base[i] = c * CH
        icopy[i] = pltpu.async_copy(
            idx_hbm.at[pl.ds(base[i], CH)], idx_v.at[i], isem)

    gcopy = [None] * NITER
    lcopy = [None] * NITER
    scopy = [None] * NITER

    def launch(i):
        b = i % 2
        icopy[i].wait()
        gcopy[i] = pltpu.async_copy(x_hbm.at[idx_v.at[i]], xb[b], dsem[b])
        lcopy[i] = pltpu.async_copy(x_hbm.at[pl.ds(base[i], CH)], xa[b],
                                    dsem[b])

    launch(0)
    for i in range(NITER):
        b = i % 2
        if i + 1 < NITER:
            if i - 1 >= 0:
                scopy[i - 1].wait()
            launch(i + 1)
        gcopy[i].wait()
        lcopy[i].wait()

        def row_body(r, rcarry):
            for cc in range(D // 16):
                s = pl.ds(cc * 16, 16)
                xa[b][r, s] = LAMB * xa[b][r, s] + (1.0 - LAMB) * xb[b][r, s]
            return rcarry

        lax.fori_loop(0, CH, row_body, 0, unroll=False)
        scopy[i] = pltpu.async_copy(xa[b], out_hbm.at[pl.ds(base[i], CH)],
                                    ssem[b])

    scopy[NITER - 2].wait()
    scopy[NITER - 1].wait()


@jax.jit
def _mix(x, idx32):
    mesh = plsc.VectorSubcoreMesh(core_axis_name="c", subcore_axis_name="s")
    f = pl.kernel(
        _mix_body,
        mesh=mesh,
        out_type=jax.ShapeDtypeStruct((N, D), jnp.float32),
        scratch_types=[
            pltpu.VMEM((NITER, CH), jnp.int32),
            pltpu.VMEM((CH, D), jnp.float32),
            pltpu.VMEM((CH, D), jnp.float32),
            pltpu.VMEM((CH, D), jnp.float32),
            pltpu.VMEM((CH, D), jnp.float32),
            pltpu.SemaphoreType.DMA,
            pltpu.SemaphoreType.DMA,
            pltpu.SemaphoreType.DMA,
            pltpu.SemaphoreType.DMA,
            pltpu.SemaphoreType.DMA,
        ],
    )
    return f(x, idx32)


def kernel(x, y, edge_index, train_mask, test_mask, pair_idx):
    x_mix = _mix(x, pair_idx.astype(jnp.int32))
    new_y = y.astype(jnp.int32)
    return (x_mix, new_y, edge_index, train_mask, test_mask)

# --- scband reference (transcript-rebuilt; emitter-appended) ---
"""Pipeline reference for scband-node-mix-up-5669356832296 (READ-ONLY COPY).

The authoritative reference and input builder live on the scoring server;
editing this copy changes nothing except your own understanding.
"""

import jax, jax.numpy as jnp
import numpy as np

N, D, C, E = 10000, 128, 40, 320000
LAMB = 0.7


def setup_inputs(seed: int = 0) -> dict:
    key = jax.random.key(seed)
    k1, k2, k3, k4, k5 = jax.random.split(key, 5)
    x = jax.random.normal(k1, (N, D), dtype=jnp.float32)
    y = jax.random.randint(k2, (N,), 0, C, dtype=jnp.int64)
    edge_index = jax.random.randint(k3, (2, E), 0, N, dtype=jnp.int64)
    train_mask = jax.random.randint(k4, (N,), 0, 2).astype(jnp.bool_)
    test_mask = jnp.logical_not(train_mask)
    # torch.randperm(n) equivalent: a random permutation of node indices
    pair_idx = jax.random.permutation(k5, N).astype(jnp.int64)
    return {
        "x": x,
        "y": y,
        "edge_index": edge_index,
        "train_mask": train_mask,
        "test_mask": test_mask,
        "pair_idx": pair_idx,
    }


def reference(x, y, edge_index, train_mask, test_mask, pair_idx):
    # NodeMixUp.forward, with the randperm materialized as pair_idx input
    lamb = LAMB
    x_b = jnp.take(x, pair_idx, axis=0)          # gather: x[pair_idx]
    y_b = jnp.take(y, pair_idx, axis=0)          # gather: y[pair_idx]
    y_a_oh = jax.nn.one_hot(y, C, dtype=jnp.float32)
    y_b_oh = jax.nn.one_hot(y_b, C, dtype=jnp.float32)
    x_mix = lamb * x + (1.0 - lamb) * x_b
    y_mix = lamb * y_a_oh + (1.0 - lamb) * y_b_oh
    new_y = jnp.argmax(y_mix, axis=1)
    # new Data(x=x_mix, y=new_y, edge_index=edge_idx, train_mask, test_mask)
    return (x_mix, new_y, edge_index, train_mask, test_mask)

if __name__ == "__main__":
    import jax
    _d = setup_inputs()
    print(jax.jit(kernel)(*tuple(_d.values())))

</pallas_src>

<mosaic_0001>
#map = affine_map<(d0, d1) -> (0, 0)>
#map1 = affine_map<(d0, d1) -> (0)>
module attributes {stable_mosaic.version = 14 : i64} {
  func.func @_mix_body(%arg0: i32, %arg1: i32, %arg2: memref<10000x128xf32, #tpu.memory_space<hbm>>, %arg3: memref<10000xi32, #tpu.memory_space<hbm>>, %arg4: memref<10000x128xf32, #tpu.memory_space<hbm>>, %arg5: memref<4x80xi32, #tpu.memory_space<vmem>>, %arg6: memref<80x128xf32, #tpu.memory_space<vmem>>, %arg7: memref<80x128xf32, #tpu.memory_space<vmem>>, %arg8: memref<80x128xf32, #tpu.memory_space<vmem>>, %arg9: memref<80x128xf32, #tpu.memory_space<vmem>>, %arg10: memref<!tpu.dma_semaphore, #tpu.memory_space<semaphore_mem>>, %arg11: memref<!tpu.dma_semaphore, #tpu.memory_space<semaphore_mem>>, %arg12: memref<!tpu.dma_semaphore, #tpu.memory_space<semaphore_mem>>, %arg13: memref<!tpu.dma_semaphore, #tpu.memory_space<semaphore_mem>>, %arg14: memref<!tpu.dma_semaphore, #tpu.memory_space<semaphore_mem>>) attributes {dimension_semantics = [#tpu.dimension_semantics<core_parallel>, #tpu.dimension_semantics<subcore_parallel>], iteration_bounds = array<i64: 2, 16>, scalar_prefetch = 0 : i64, scratch_operands = 10 : i64, tpu.core_type = #tpu.core_type<sc_vector_subcore>, window_params = [{transform_indices = #map}, {transform_indices = #map1}, {transform_indices = #map}]} {
    %mul3A = arith.constant 2 : i32
    %mul3A_0 = arith.muli %arg1, %mul3A : i32
    %add3A = arith.addi %mul3A_0, %arg0 : i32
    %add3A_1 = arith.constant 0 : i32
    %add3A_2 = arith.addi %add3A, %add3A_1 : i32
    %min3A = arith.constant 124 : i32
    %min3A_3 = arith.minsi %add3A_2, %min3A : i32
    %mul3A_4 = arith.constant 80 : i32
    %mul3A_5 = arith.muli %min3A_3, %mul3A_4 : i32
    %dma_start3A = arith.constant 0 : i32
    %dma_start3A_6 = arith.constant 0 : i32
    %dma_start3A_7 = tpu.memref_slice %arg5[%dma_start3A, %dma_start3A_6] : memref<4x80xi32, #tpu.memory_space<vmem>> -> memref<1x80xi32, #tpu.memory_space<vmem>>
    %dma_start3A_8 = tpu.memref_squeeze %dma_start3A_7 : memref<1x80xi32, #tpu.memory_space<vmem>> -> memref<80xi32, #tpu.memory_space<vmem>>
    %dma_start3A_9 = tpu.memref_slice %arg3[%mul3A_5] : memref<10000xi32, #tpu.memory_space<hbm>> -> memref<80xi32, #tpu.memory_space<hbm>>
    %dma_start3A_10 = arith.constant 0 : i32
    %dma_start3A_11 = tpu.memref_slice %arg5[%dma_start3A, %dma_start3A_10] : memref<4x80xi32, #tpu.memory_space<vmem>> -> memref<1x80xi32, #tpu.memory_space<vmem>>
    %dma_start3A_12 = tpu.memref_squeeze %dma_start3A_11 : memref<1x80xi32, #tpu.memory_space<vmem>> -> memref<80xi32, #tpu.memory_space<vmem>>
    %dma_start3A_13 = tpu.memref_slice %arg3[%mul3A_5] : memref<10000xi32, #tpu.memory_space<hbm>> -> memref<80xi32, #tpu.memory_space<hbm>>
    tpu.enqueue_dma source(%dma_start3A_13 : memref<80xi32, #tpu.memory_space<hbm>>) target(%dma_start3A_12 : memref<80xi32, #tpu.memory_space<vmem>>) target_semaphore(%arg10 : memref<!tpu.dma_semaphore, #tpu.memory_space<semaphore_mem>>)
    %add3A_14 = arith.constant 32 : i32
    %add3A_15 = arith.addi %add3A, %add3A_14 : i32
    %min3A_16 = arith.constant 124 : i32
    %min3A_17 = arith.minsi %add3A_15, %min3A_16 : i32
    %mul3A_18 = arith.constant 80 : i32
    %mul3A_19 = arith.muli %min3A_17, %mul3A_18 : i32
    %dma_start3A_20 = arith.constant 1 : i32
    %dma_start3A_21 = arith.constant 0 : i32
    %dma_start3A_22 = tpu.memref_slice %arg5[%dma_start3A_20, %dma_start3A_21] : memref<4x80xi32, #tpu.memory_space<vmem>> -> memref<1x80xi32, #tpu.memory_space<vmem>>
    %dma_start3A_23 = tpu.memref_squeeze %dma_start3A_22 : memref<1x80xi32, #tpu.memory_space<vmem>> -> memref<80xi32, #tpu.memory_space<vmem>>
    %dma_start3A_24 = tpu.memref_slice %arg3[%mul3A_19] : memref<10000xi32, #tpu.memory_space<hbm>> -> memref<80xi32, #tpu.memory_space<hbm>>
    %dma_start3A_25 = arith.constant 0 : i32
    %dma_start3A_26 = tpu.memref_slice %arg5[%dma_start3A_20, %dma_start3A_25] : memref<4x80xi32, #tpu.memory_space<vmem>> -> memref<1x80xi32, #tpu.memory_space<vmem>>
    %dma_start3A_27 = tpu.memref_squeeze %dma_start3A_26 : memref<1x80xi32, #tpu.memory_space<vmem>> -> memref<80xi32, #tpu.memory_space<vmem>>
    %dma_start3A_28 = tpu.memref_slice %arg3[%mul3A_19] : memref<10000xi32, #tpu.memory_space<hbm>> -> memref<80xi32, #tpu.memory_space<hbm>>
    tpu.enqueue_dma source(%dma_start3A_28 : memref<80xi32, #tpu.memory_space<hbm>>) target(%dma_start3A_27 : memref<80xi32, #tpu.memory_space<vmem>>) target_semaphore(%arg10 : memref<!tpu.dma_semaphore, #tpu.memory_space<semaphore_mem>>)
    %add3A_29 = arith.constant 64 : i32
    %add3A_30 = arith.addi %add3A, %add3A_29 : i32
    %min3A_31 = arith.constant 124 : i32
    %min3A_32 = arith.minsi %add3A_30, %min3A_31 : i32
    %mul3A_33 = arith.constant 80 : i32
    %mul3A_34 = arith.muli %min3A_32, %mul3A_33 : i32
    %dma_start3A_35 = arith.constant 2 : i32
    %dma_start3A_36 = arith.constant 0 : i32
    %dma_start3A_37 = tpu.memref_slice %arg5[%dma_start3A_35, %dma_start3A_36] : memref<4x80xi32, #tpu.memory_space<vmem>> -> memref<1x80xi32, #tpu.memory_space<vmem>>
    %dma_start3A_38 = tpu.memref_squeeze %dma_start3A_37 : memref<1x80xi32, #tpu.memory_space<vmem>> -> memref<80xi32, #tpu.memory_space<vmem>>
    %dma_start3A_39 = tpu.memref_slice %arg3[%mul3A_34] : memref<10000xi32, #tpu.memory_space<hbm>> -> memref<80xi32, #tpu.memory_space<hbm>>
    %dma_start3A_40 = arith.constant 0 : i32
    %dma_start3A_41 = tpu.memref_slice %arg5[%dma_start3A_35, %dma_start3A_40] : memref<4x80xi32, #tpu.memory_space<vmem>> -> memref<1x80xi32, #tpu.memory_space<vmem>>
    %dma_start3A_42 = tpu.memref_squeeze %dma_start3A_41 : memref<1x80xi32, #tpu.memory_space<vmem>> -> memref<80xi32, #tpu.memory_space<vmem>>
    %dma_start3A_43 = tpu.memref_slice %arg3[%mul3A_34] : memref<10000xi32, #tpu.memory_space<hbm>> -> memref<80xi32, #tpu.memory_space<hbm>>
    tpu.enqueue_dma source(%dma_start3A_43 : memref<80xi32, #tpu.memory_space<hbm>>) target(%dma_start3A_42 : memref<80xi32, #tpu.memory_space<vmem>>) target_semaphore(%arg10 : memref<!tpu.dma_semaphore, #tpu.memory_space<semaphore_mem>>)
    %add3A_44 = arith.constant 96 : i32
    %add3A_45 = arith.addi %add3A, %add3A_44 : i32
    %min3A_46 = arith.constant 124 : i32
    %min3A_47 = arith.minsi %add3A_45, %min3A_46 : i32
    %mul3A_48 = arith.constant 80 : i32
    %mul3A_49 = arith.muli %min3A_47, %mul3A_48 : i32
    %dma_start3A_50 = arith.constant 3 : i32
    %dma_start3A_51 = arith.constant 0 : i32
    %dma_start3A_52 = tpu.memref_slice %arg5[%dma_start3A_50, %dma_start3A_51] : memref<4x80xi32, #tpu.memory_space<vmem>> -> memref<1x80xi32, #tpu.memory_space<vmem>>
    %dma_start3A_53 = tpu.memref_squeeze %dma_start3A_52 : memref<1x80xi32, #tpu.memory_space<vmem>> -> memref<80xi32, #tpu.memory_space<vmem>>
    %dma_start3A_54 = tpu.memref_slice %arg3[%mul3A_49] : memref<10000xi32, #tpu.memory_space<hbm>> -> memref<80xi32, #tpu.memory_space<hbm>>
    %dma_start3A_55 = arith.constant 0 : i32
    %dma_start3A_56 = tpu.memref_slice %arg5[%dma_start3A_50, %dma_start3A_55] : memref<4x80xi32, #tpu.memory_space<vmem>> -> memref<1x80xi32, #tpu.memory_space<vmem>>
    %dma_start3A_57 = tpu.memref_squeeze %dma_start3A_56 : memref<1x80xi32, #tpu.memory_space<vmem>> -> memref<80xi32, #tpu.memory_space<vmem>>
    %dma_start3A_58 = tpu.memref_slice %arg3[%mul3A_49] : memref<10000xi32, #tpu.memory_space<hbm>> -> memref<80xi32, #tpu.memory_space<hbm>>
    tpu.enqueue_dma source(%dma_start3A_58 : memref<80xi32, #tpu.memory_space<hbm>>) target(%dma_start3A_57 : memref<80xi32, #tpu.memory_space<vmem>>) target_semaphore(%arg10 : memref<!tpu.dma_semaphore, #tpu.memory_space<semaphore_mem>>)
    %dma_wait3A = arith.constant 0 : i32
    %dma_wait3A_59 = arith.constant 0 : i32
    %dma_wait3A_60 = tpu.memref_slice %arg5[%dma_wait3A, %dma_wait3A_59] : memref<4x80xi32, #tpu.memory_space<vmem>> -> memref<1x80xi32, #tpu.memory_space<vmem>>
    %dma_wait3A_61 = tpu.memref_squeeze %dma_wait3A_60 : memref<1x80xi32, #tpu.memory_space<vmem>> -> memref<80xi32, #tpu.memory_space<vmem>>
    %dma_wait3A_62 = tpu.memref_slice %arg3[%mul3A_5] : memref<10000xi32, #tpu.memory_space<hbm>> -> memref<80xi32, #tpu.memory_space<hbm>>
    %dma_wait3A_63 = arith.constant 0 : i32
    %dma_wait3A_64 = tpu.memref_slice %arg5[%dma_wait3A, %dma_wait3A_63] : memref<4x80xi32, #tpu.memory_space<vmem>> -> memref<1x80xi32, #tpu.memory_space<vmem>>
    %dma_wait3A_65 = tpu.memref_squeeze %dma_wait3A_64 : memref<1x80xi32, #tpu.memory_space<vmem>> -> memref<80xi32, #tpu.memory_space<vmem>>
    %dma_wait3A_66 = tpu.memref_slice %arg3[%mul3A_5] : memref<10000xi32, #tpu.memory_space<hbm>> -> memref<80xi32, #tpu.memory_space<hbm>>
    tpu.wait_dma2 semaphore(%arg10 : memref<!tpu.dma_semaphore, #tpu.memory_space<semaphore_mem>>) src(%dma_wait3A_66 : memref<80xi32, #tpu.memory_space<hbm>>) dst(%dma_wait3A_65 : memref<80xi32, #tpu.memory_space<vmem>>)
    %dma_start3A_67 = arith.constant 0 : i32
    %dma_start3A_68 = arith.constant 0 : i32
    %dma_start3A_69 = tpu.memref_slice %arg5[%dma_start3A_67, %dma_start3A_68] : memref<4x80xi32, #tpu.memory_space<vmem>> -> memref<1x80xi32, #tpu.memory_space<vmem>>
    %dma_start3A_70 = tpu.memref_squeeze %dma_start3A_69 : memref<1x80xi32, #tpu.memory_space<vmem>> -> memref<80xi32, #tpu.memory_space<vmem>>
    %dma_start3A_71 = arith.constant 0 : i32
    %dma_start3A_72 = arith.constant 0 : i32
    %dma_start3A_73 = tpu.memref_slice %arg2[%dma_start3A_71, %dma_start3A_72] : memref<10000x128xf32, #tpu.memory_space<hbm>> -> memref<10000x128xf32, #tpu.memory_space<hbm>>
    tpu.enqueue_indirect_dma source(%dma_start3A_73 : memref<10000x128xf32, #tpu.memory_space<hbm>>) target(%arg8 : memref<80x128xf32, #tpu.memory_space<vmem>>) offsets(%dma_start3A_70 : memref<80xi32, #tpu.memory_space<vmem>>) semaphore(%arg11 : memref<!tpu.dma_semaphore, #tpu.memory_space<semaphore_mem>>)
    %dma_start3A_74 = arith.constant 0 : i32
    %dma_start3A_75 = tpu.memref_slice %arg2[%mul3A_5, %dma_start3A_74] : memref<10000x128xf32, #tpu.memory_space<hbm>> -> memref<80x128xf32, #tpu.memory_space<hbm>>
    %dma_start3A_76 = arith.constant 0 : i32
    %dma_start3A_77 = tpu.memref_slice %arg2[%mul3A_5, %dma_start3A_76] : memref<10000x128xf32, #tpu.memory_space<hbm>> -> memref<80x128xf32, #tpu.memory_space<hbm>>
    tpu.enqueue_dma source(%dma_start3A_77 : memref<80x128xf32, #tpu.memory_space<hbm>>) target(%arg6 : memref<80x128xf32, #tpu.memory_space<vmem>>) target_semaphore(%arg11 : memref<!tpu.dma_semaphore, #tpu.memory_space<semaphore_mem>>)
    %dma_wait3A_78 = arith.constant 1 : i32
    %dma_wait3A_79 = arith.constant 0 : i32
    %dma_wait3A_80 = tpu.memref_slice %arg5[%dma_wait3A_78, %dma_wait3A_79] : memref<4x80xi32, #tpu.memory_space<vmem>> -> memref<1x80xi32, #tpu.memory_space<vmem>>
    %dma_wait3A_81 = tpu.memref_squeeze %dma_wait3A_80 : memref<1x80xi32, #tpu.memory_space<vmem>> -> memref<80xi32, #tpu.memory_space<vmem>>
    %dma_wait3A_82 = tpu.memref_slice %arg3[%mul3A_19] : memref<10000xi32, #tpu.memory_space<hbm>> -> memref<80xi32, #tpu.memory_space<hbm>>
    %dma_wait3A_83 = arith.constant 0 : i32
    %dma_wait3A_84 = tpu.memref_slice %arg5[%dma_wait3A_78, %dma_wait3A_83] : memref<4x80xi32, #tpu.memory_space<vmem>> -> memref<1x80xi32, #tpu.memory_space<vmem>>
    %dma_wait3A_85 = tpu.memref_squeeze %dma_wait3A_84 : memref<1x80xi32, #tpu.memory_space<vmem>> -> memref<80xi32, #tpu.memory_space<vmem>>
    %dma_wait3A_86 = tpu.memref_slice %arg3[%mul3A_19] : memref<10000xi32, #tpu.memory_space<hbm>> -> memref<80xi32, #tpu.memory_space<hbm>>
    tpu.wait_dma2 semaphore(%arg10 : memref<!tpu.dma_semaphore, #tpu.memory_space<semaphore_mem>>) src(%dma_wait3A_86 : memref<80xi32, #tpu.memory_space<hbm>>) dst(%dma_wait3A_85 : memref<80xi32, #tpu.memory_space<vmem>>)
    %dma_start3A_87 = arith.constant 1 : i32
    %dma_start3A_88 = arith.constant 0 : i32
    %dma_start3A_89 = tpu.memref_slice %arg5[%dma_start3A_87, %dma_start3A_88] : memref<4x80xi32, #tpu.memory_space<vmem>> -> memref<1x80xi32, #tpu.memory_space<vmem>>
    %dma_start3A_90 = tpu.memref_squeeze %dma_start3A_89 : memref<1x80xi32, #tpu.memory_space<vmem>> -> memref<80xi32, #tpu.memory_space<vmem>>
    %dma_start3A_91 = arith.constant 0 : i32
    %dma_start3A_92 = arith.constant 0 : i32
    %dma_start3A_93 = tpu.memref_slice %arg2[%dma_start3A_91, %dma_start3A_92] : memref<10000x128xf32, #tpu.memory_space<hbm>> -> memref<10000x128xf32, #tpu.memory_space<hbm>>
    tpu.enqueue_indirect_dma source(%dma_start3A_93 : memref<10000x128xf32, #tpu.memory_space<hbm>>) target(%arg9 : memref<80x128xf32, #tpu.memory_space<vmem>>) offsets(%dma_start3A_90 : memref<80xi32, #tpu.memory_space<vmem>>) semaphore(%arg12 : memref<!tpu.dma_semaphore, #tpu.memory_space<semaphore_mem>>)
    %dma_start3A_94 = arith.constant 0 : i32
    %dma_start3A_95 = tpu.memref_slice %arg2[%mul3A_19, %dma_start3A_94] : memref<10000x128xf32, #tpu.memory_space<hbm>> -> memref<80x128xf32, #tpu.memory_space<hbm>>
    %dma_start3A_96 = arith.constant 0 : i32
    %dma_start3A_97 = tpu.memref_slice %arg2[%mul3A_19, %dma_start3A_96] : memref<10000x128xf32, #tpu.memory_space<hbm>> -> memref<80x128xf32, #tpu.memory_space<hbm>>
    tpu.enqueue_dma source(%dma_start3A_97 : memref<80x128xf32, #tpu.memory_space<hbm>>) target(%arg7 : memref<80x128xf32, #tpu.memory_space<vmem>>) target_semaphore(%arg12 : memref<!tpu.dma_semaphore, #tpu.memory_space<semaphore_mem>>)
    %dma_wait3A_98 = arith.constant 0 : i32
    %dma_wait3A_99 = arith.constant 0 : i32
    %dma_wait3A_100 = tpu.memref_slice %arg5[%dma_wait3A_98, %dma_wait3A_99] : memref<4x80xi32, #tpu.memory_space<vmem>> -> memref<1x80xi32, #tpu.memory_space<vmem>>
    %dma_wait3A_101 = tpu.memref_squeeze %dma_wait3A_100 : memref<1x80xi32, #tpu.memory_space<vmem>> -> memref<80xi32, #tpu.memory_space<vmem>>
    %dma_wait3A_102 = arith.constant 0 : i32
    %dma_wait3A_103 = arith.constant 0 : i32
    %dma_wait3A_104 = tpu.memref_slice %arg2[%dma_wait3A_102, %dma_wait3A_103] : memref<10000x128xf32, #tpu.memory_space<hbm>> -> memref<10000x128xf32, #tpu.memory_space<hbm>>
    tpu.wait_indirect_dma semaphore(%arg11 : memref<!tpu.dma_semaphore, #tpu.memory_space<semaphore_mem>>) src(%dma_wait3A_104 : memref<10000x128xf32, #tpu.memory_space<hbm>>) dst(%arg8 : memref<80x128xf32, #tpu.memory_space<vmem>>)
    %dma_wait3A_105 = arith.constant 0 : i32
    %dma_wait3A_106 = tpu.memref_slice %arg2[%mul3A_5, %dma_wait3A_105] : memref<10000x128xf32, #tpu.memory_space<hbm>> -> memref<80x128xf32, #tpu.memory_space<hbm>>
    %dma_wait3A_107 = arith.constant 0 : i32
    %dma_wait3A_108 = tpu.memref_slice %arg2[%mul3A_5, %dma_wait3A_107] : memref<10000x128xf32, #tpu.memory_space<hbm>> -> memref<80x128xf32, #tpu.memory_space<hbm>>
    tpu.wait_dma2 semaphore(%arg11 : memref<!tpu.dma_semaphore, #tpu.memory_space<semaphore_mem>>) src(%dma_wait3A_108 : memref<80x128xf32, #tpu.memory_space<hbm>>) dst(%arg6 : memref<80x128xf32, #tpu.memory_space<vmem>>)
    %scan3A = arith.constant 0 : i32
    %scan3A_109 = arith.constant 0 : i32
    %scan3A_110 = arith.constant 80 : i32
    %scan3A_111 = arith.addi %scan3A_109, %scan3A_110 : i32
    %scan3A_112 = arith.constant 1 : i32
    scf.for %scan3A_237 = %scan3A_109 to %scan3A_111 step %scan3A_112  : i32 {
      %get3A = arith.index_cast %scan3A_237 : i32 to index
      %get3A_238 = arith.constant 0 : index
      %get3A_239 = tpu.vector_load %arg6[%get3A, %get3A_238] {strides = array<i32>} : memref<80x128xf32, #tpu.memory_space<vmem>>, vector<1x16xf32>,
      %get3A_240 = vector.shape_cast %get3A_239 : vector<1x16xf32> to vector<16xf32>
      %mul3A_241 = arith.constant 0.699999988 : f32
      %mul3A_242 = vector.broadcast %mul3A_241 : f32 to vector<16xf32>
      %mul3A_243 = arith.mulf %mul3A_242, %get3A_240 : vector<16xf32>
      %get3A_244 = arith.index_cast %scan3A_237 : i32 to index
      %get3A_245 = arith.constant 0 : index
      %get3A_246 = tpu.vector_load %arg8[%get3A_244, %get3A_245] {strides = array<i32>} : memref<80x128xf32, #tpu.memory_space<vmem>>, vector<1x16xf32>,
      %get3A_247 = vector.shape_cast %get3A_246 : vector<1x16xf32> to vector<16xf32>
      %mul3A_248 = arith.constant 3.000000e-01 : f32
      %mul3A_249 = vector.broadcast %mul3A_248 : f32 to vector<16xf32>
      %mul3A_250 = arith.mulf %mul3A_249, %get3A_247 : vector<16xf32>
      %add3A_251 = arith.addf %mul3A_243, %mul3A_250 : vector<16xf32>
      %swap3A = arith.index_cast %scan3A_237 : i32 to index
      %swap3A_252 = arith.constant 0 : index
      %swap3A_253 = tpu.vector_load %arg6[%swap3A, %swap3A_252] {strides = array<i32>} : memref<80x128xf32, #tpu.memory_space<vmem>>, vector<1x16xf32>,
      %swap3A_254 = vector.shape_cast %swap3A_253 : vector<1x16xf32> to vector<16xf32>
      %swap3A_255 = vector.shape_cast %add3A_251 : vector<16xf32> to vector<1x16xf32>
      tpu.vector_store %arg6[%swap3A, %swap3A_252], %swap3A_255 {strides = array<i32>} : memref<80x128xf32, #tpu.memory_space<vmem>>, vector<1x16xf32>,
      %get3A_256 = arith.index_cast %scan3A_237 : i32 to index
      %get3A_257 = arith.constant 16 : index
      %get3A_258 = tpu.vector_load %arg6[%get3A_256, %get3A_257] {strides = array<i32>} : memref<80x128xf32, #tpu.memory_space<vmem>>, vector<1x16xf32>,
      %get3A_259 = vector.shape_cast %get3A_258 : vector<1x16xf32> to vector<16xf32>
      %mul3A_260 = arith.constant 0.699999988 : f32
      %mul3A_261 = vector.broadcast %mul3A_260 : f32 to vector<16xf32>
      %mul3A_262 = arith.mulf %mul3A_261, %get3A_259 : vector<16xf32>
      %get3A_263 = arith.index_cast %scan3A_237 : i32 to index
      %get3A_264 = arith.constant 16 : index
      %get3A_265 = tpu.vector_load %arg8[%get3A_263, %get3A_264] {strides = array<i32>} : memref<80x128xf32, #tpu.memory_space<vmem>>, vector<1x16xf32>,
      %get3A_266 = vector.shape_cast %get3A_265 : vector<1x16xf32> to vector<16xf32>
      %mul3A_267 = arith.constant 3.000000e-01 : f32
      %mul3A_268 = vector.broadcast %mul3A_267 : f32 to vector<16xf32>
      %mul3A_269 = arith.mulf %mul3A_268, %get3A_266 : vector<16xf32>
      %add3A_270 = arith.addf %mul3A_262, %mul3A_269 : vector<16xf32>
      %swap3A_271 = arith.index_cast %scan3A_237 : i32 to index
      %swap3A_272 = arith.constant 16 : index
      %swap3A_273 = tpu.vector_load %arg6[%swap3A_271, %swap3A_272] {strides = array<i32>} : memref<80x128xf32, #tpu.memory_space<vmem>>, vector<1x16xf32>,
      %swap3A_274 = vector.shape_cast %swap3A_273 : vector<1x16xf32> to vector<16xf32>
      %swap3A_275 = vector.shape_cast %add3A_270 : vector<16xf32> to vector<1x16xf32>
      tpu.vector_store %arg6[%swap3A_271, %swap3A_272], %swap3A_275 {strides = array<i32>} : memref<80x128xf32, #tpu.memory_space<vmem>>, vector<1x16xf32>,
      %get3A_276 = arith.index_cast %scan3A_237 : i32 to index
      %get3A_277 = arith.constant 32 : index
      %get3A_278 = tpu.vector_load %arg6[%get3A_276, %get3A_277] {strides = array<i32>} : memref<80x128xf32, #tpu.memory_space<vmem>>, vector<1x16xf32>,
      %get3A_279 = vector.shape_cast %get3A_278 : vector<1x16xf32> to vector<16xf32>
      %mul3A_280 = arith.constant 0.699999988 : f32
      %mul3A_281 = vector.broadcast %mul3A_280 : f32 to vector<16xf32>
      %mul3A_282 = arith.mulf %mul3A_281, %get3A_279 : vector<16xf32>
      %get3A_283 = arith.index_cast %scan3A_237 : i32 to index
      %get3A_284 = arith.constant 32 : index
      %get3A_285 = tpu.vector_load %arg8[%get3A_283, %get3A_284] {strides = array<i32>} : memref<80x128xf32, #tpu.memory_space<vmem>>, vector<1x16xf32>,
      %get3A_286 = vector.shape_cast %get3A_285 : vector<1x16xf32> to vector<16xf32>
      %mul3A_287 = arith.constant 3.000000e-01 : f32
      %mul3A_288 = vector.broadcast %mul3A_287 : f32 to vector<16xf32>
      %mul3A_289 = arith.mulf %mul3A_288, %get3A_286 : vector<16xf32>
      %add3A_290 = arith.addf %mul3A_282, %mul3A_289 : vector<16xf32>
      %swap3A_291 = arith.index_cast %scan3A_237 : i32 to index
      %swap3A_292 = arith.constant 32 : index
      %swap3A_293 = tpu.vector_load %arg6[%swap3A_291, %swap3A_292] {strides = array<i32>} : memref<80x128xf32, #tpu.memory_space<vmem>>, vector<1x16xf32>,
      %swap3A_294 = vector.shape_cast %swap3A_293 : vector<1x16xf32> to vector<16xf32>
      %swap3A_295 = vector.shape_cast %add3A_290 : vector<16xf32> to vector<1x16xf32>
      tpu.vector_store %arg6[%swap3A_291, %swap3A_292], %swap3A_295 {strides = array<i32>} : memref<80x128xf32, #tpu.memory_space<vmem>>, vector<1x16xf32>,
      %get3A_296 = arith.index_cast %scan3A_237 : i32 to index
      %get3A_297 = arith.constant 48 : index
      %get3A_298 = tpu.vector_load %arg6[%get3A_296, %get3A_297] {strides = array<i32>} : memref<80x128xf32, #tpu.memory_space<vmem>>, vector<1x16xf32>,
      %get3A_299 = vector.shape_cast %get3A_298 : vector<1x16xf32> to vector<16xf32>
      %mul3A_300 = arith.constant 0.699999988 : f32
      %mul3A_301 = vector.broadcast %mul3A_300 : f32 to vector<16xf32>
      %mul3A_302 = arith.mulf %mul3A_301, %get3A_299 : vector<16xf32>
      %get3A_303 = arith.index_cast %scan3A_237 : i32 to index
      %get3A_304 = arith.constant 48 : index
      %get3A_305 = tpu.vector_load %arg8[%get3A_303, %get3A_304] {strides = array<i32>} : memref<80x128xf32, #tpu.memory_space<vmem>>, vector<1x16xf32>,
      %get3A_306 = vector.shape_cast %get3A_305 : vector<1x16xf32> to vector<16xf32>
      %mul3A_307 = arith.constant 3.000000e-01 : f32
      %mul3A_308 = vector.broadcast %mul3A_307 : f32 to vector<16xf32>
      %mul3A_309 = arith.mulf %mul3A_308, %get3A_306 : vector<16xf32>
      %add3A_310 = arith.addf %mul3A_302, %mul3A_309 : vector<16xf32>
      %swap3A_311 = arith.index_cast %scan3A_237 : i32 to index
      %swap3A_312 = arith.constant 48 : index
      %swap3A_313 = tpu.vector_load %arg6[%swap3A_311, %swap3A_312] {strides = array<i32>} : memref<80x128xf32, #tpu.memory_space<vmem>>, vector<1x16xf32>,
      %swap3A_314 = vector.shape_cast %swap3A_313 : vector<1x16xf32> to vector<16xf32>
      %swap3A_315 = vector.shape_cast %add3A_310 : vector<16xf32> to vector<1x16xf32>
      tpu.vector_store %arg6[%swap3A_311, %swap3A_312], %swap3A_315 {strides = array<i32>} : memref<80x128xf32, #tpu.memory_space<vmem>>, vector<1x16xf32>,
      %get3A_316 = arith.index_cast %scan3A_237 : i32 to index
      %get3A_317 = arith.constant 64 : index
      %get3A_318 = tpu.vector_load %arg6[%get3A_316, %get3A_317] {strides = array<i32>} : memref<80x128xf32, #tpu.memory_space<vmem>>, vector<1x16xf32>,
      %get3A_319 = vector.shape_cast %get3A_318 : vector<1x16xf32> to vector<16xf32>
      %mul3A_320 = arith.constant 0.699999988 : f32
      %mul3A_321 = vector.broadcast %mul3A_320 : f32 to vector<16xf32>
      %mul3A_322 = arith.mulf %mul3A_321, %get3A_319 : vector<16xf32>
      %get3A_323 = arith.index_cast %scan3A_237 : i32 to index
      %get3A_324 = arith.constant 64 : index
      %get3A_325 = tpu.vector_load %arg8[%get3A_323, %get3A_324] {strides = array<i32>} : memref<80x128xf32, #tpu.memory_space<vmem>>, vector<1x16xf32>,
      %get3A_326 = vector.shape_cast %get3A_325 : vector<1x16xf32> to vector<16xf32>
      %mul3A_327 = arith.constant 3.000000e-01 : f32
      %mul3A_328 = vector.broadcast %mul3A_327 : f32 to vector<16xf32>
      %mul3A_329 = arith.mulf %mul3A_328, %get3A_326 : vector<16xf32>
      %add3A_330 = arith.addf %mul3A_322, %mul3A_329 : vector<16xf32>
      %swap3A_331 = arith.index_cast %scan3A_237 : i32 to index
      %swap3A_332 = arith.constant 64 : index
      %swap3A_333 = tpu.vector_load %arg6[%swap3A_331, %swap3A_332] {strides = array<i32>} : memref<80x128xf32, #tpu.memory_space<vmem>>, vector<1x16xf32>,
      %swap3A_334 = vector.shape_cast %swap3A_333 : vector<1x16xf32> to vector<16xf32>
      %swap3A_335 = vector.shape_cast %add3A_330 : vector<16xf32> to vector<1x16xf32>
      tpu.vector_store %arg6[%swap3A_331, %swap3A_332], %swap3A_335 {strides = array<i32>} : memref<80x128xf32, #tpu.memory_space<vmem>>, vector<1x16xf32>,
      %get3A_336 = arith.index_cast %scan3A_237 : i32 to index
      %get3A_337 = arith.constant 80 : index
      %get3A_338 = tpu.vector_load %arg6[%get3A_336, %get3A_337] {strides = array<i32>} : memref<80x128xf32, #tpu.memory_space<vmem>>, vector<1x16xf32>,
      %get3A_339 = vector.shape_cast %get3A_338 : vector<1x16xf32> to vector<16xf32>
      %mul3A_340 = arith.constant 0.699999988 : f32
      %mul3A_341 = vector.broadcast %mul3A_340 : f32 to vector<16xf32>
      %mul3A_342 = arith.mulf %mul3A_341, %get3A_339 : vector<16xf32>
      %get3A_343 = arith.index_cast %scan3A_237 : i32 to index
      %get3A_344 = arith.constant 80 : index
      %get3A_345 = tpu.vector_load %arg8[%get3A_343, %get3A_344] {strides = array<i32>} : memref<80x128xf32, #tpu.memory_space<vmem>>, vector<1x16xf32>,
      %get3A_346 = vector.shape_cast %get3A_345 : vector<1x16xf32> to vector<16xf32>
      %mul3A_347 = arith.constant 3.000000e-01 : f32
      %mul3A_348 = vector.broadcast %mul3A_347 : f32 to vector<16xf32>
      %mul3A_349 = arith.mulf %mul3A_348, %get3A_346 : vector<16xf32>
      %add3A_350 = arith.addf %mul3A_342, %mul3A_349 : vector<16xf32>
      %swap3A_351 = arith.index_cast %scan3A_237 : i32 to index
      %swap3A_352 = arith.constant 80 : index
      %swap3A_353 = tpu.vector_load %arg6[%swap3A_351, %swap3A_352] {strides = array<i32>} : memref<80x128xf32, #tpu.memory_space<vmem>>, vector<1x16xf32>,
      %swap3A_354 = vector.shape_cast %swap3A_353 : vector<1x16xf32> to vector<16xf32>
      %swap3A_355 = vector.shape_cast %add3A_350 : vector<16xf32> to vector<1x16xf32>
      tpu.vector_store %arg6[%swap3A_351, %swap3A_352], %swap3A_355 {strides = array<i32>} : memref<80x128xf32, #tpu.memory_space<vmem>>, vector<1x16xf32>,
      %get3A_356 = arith.index_cast %scan3A_237 : i32 to index
      %get3A_357 = arith.constant 96 : index
      %get3A_358 = tpu.vector_load %arg6[%get3A_356, %get3A_357] {strides = array<i32>} : memref<80x128xf32, #tpu.memory_space<vmem>>, vector<1x16xf32>,
      %get3A_359 = vector.shape_cast %get3A_358 : vector<1x16xf32> to vector<16xf32>
      %mul3A_360 = arith.constant 0.699999988 : f32
      %mul3A_361 = vector.broadcast %mul3A_360 : f32 to vector<16xf32>
      %mul3A_362 = arith.mulf %mul3A_361, %get3A_359 : vector<16xf32>
      %get3A_363 = arith.index_cast %scan3A_237 : i32 to index
      %get3A_364 = arith.constant 96 : index
      %get3A_365 = tpu.vector_load %arg8[%get3A_363, %get3A_364] {strides = array<i32>} : memref<80x128xf32, #tpu.memory_space<vmem>>, vector<1x16xf32>,
      %get3A_366 = vector.shape_cast %get3A_365 : vector<1x16xf32> to vector<16xf32>
      %mul3A_367 = arith.constant 3.000000e-01 : f32
      %mul3A_368 = vector.broadcast %mul3A_367 : f32 to vector<16xf32>
      %mul3A_369 = arith.mulf %mul3A_368, %get3A_366 : vector<16xf32>
      %add3A_370 = arith.addf %mul3A_362, %mul3A_369 : vector<16xf32>
      %swap3A_371 = arith.index_cast %scan3A_237 : i32 to index
      %swap3A_372 = arith.constant 96 : index
      %swap3A_373 = tpu.vector_load %arg6[%swap3A_371, %swap3A_372] {strides = array<i32>} : memref<80x128xf32, #tpu.memory_space<vmem>>, vector<1x16xf32>,
      %swap3A_374 = vector.shape_cast %swap3A_373 : vector<1x16xf32> to vector<16xf32>
      %swap3A_375 = vector.shape_cast %add3A_370 : vector<16xf32> to vector<1x16xf32>
      tpu.vector_store %arg6[%swap3A_371, %swap3A_372], %swap3A_375 {strides = array<i32>} : memref<80x128xf32, #tpu.memory_space<vmem>>, vector<1x16xf32>,
      %get3A_376 = arith.index_cast %scan3A_237 : i32 to index
      %get3A_377 = arith.constant 112 : index
      %get3A_378 = tpu.vector_load %arg6[%get3A_376, %get3A_377] {strides = array<i32>} : memref<80x128xf32, #tpu.memory_space<vmem>>, vector<1x16xf32>,
      %get3A_379 = vector.shape_cast %get3A_378 : vector<1x16xf32> to vector<16xf32>
      %mul3A_380 = arith.constant 0.699999988 : f32
      %mul3A_381 = vector.broadcast %mul3A_380 : f32 to vector<16xf32>
      %mul3A_382 = arith.mulf %mul3A_381, %get3A_379 : vector<16xf32>
      %get3A_383 = arith.index_cast %scan3A_237 : i32 to index
      %get3A_384 = arith.constant 112 : index
      %get3A_385 = tpu.vector_load %arg8[%get3A_383, %get3A_384] {strides = array<i32>} : memref<80x128xf32, #tpu.memory_space<vmem>>, vector<1x16xf32>,
      %get3A_386 = vector.shape_cast %get3A_385 : vector<1x16xf32> to vector<16xf32>
      %mul3A_387 = arith.constant 3.000000e-01 : f32
      %mul3A_388 = vector.broadcast %mul3A_387 : f32 to vector<16xf32>
      %mul3A_389 = arith.mulf %mul3A_388, %get3A_386 : vector<16xf32>
      %add3A_390 = arith.addf %mul3A_382, %mul3A_389 : vector<16xf32>
      %swap3A_391 = arith.index_cast %scan3A_237 : i32 to index
      %swap3A_392 = arith.constant 112 : index
      %swap3A_393 = tpu.vector_load %arg6[%swap3A_391, %swap3A_392] {strides = array<i32>} : memref<80x128xf32, #tpu.memory_space<vmem>>, vector<1x16xf32>,
      %swap3A_394 = vector.shape_cast %swap3A_393 : vector<1x16xf32> to vector<16xf32>
      %swap3A_395 = vector.shape_cast %add3A_390 : vector<16xf32> to vector<1x16xf32>
      tpu.vector_store %arg6[%swap3A_391, %swap3A_392], %swap3A_395 {strides = array<i32>} : memref<80x128xf32, #tpu.memory_space<vmem>>, vector<1x16xf32>,
    }
    %scan3A_113 = arith.constant 80 : i32
    %dma_start3A_114 = arith.constant 0 : i32
    %dma_start3A_115 = tpu.memref_slice %arg4[%mul3A_5, %dma_start3A_114] : memref<10000x128xf32, #tpu.memory_space<hbm>> -> memref<80x128xf32, #tpu.memory_space<hbm>>
    %dma_start3A_116 = arith.constant 0 : i32
    %dma_start3A_117 = tpu.memref_slice %arg4[%mul3A_5, %dma_start3A_116] : memref<10000x128xf32, #tpu.memory_space<hbm>> -> memref<80x128xf32, #tpu.memory_space<hbm>>
    tpu.enqueue_dma source(%arg6 : memref<80x128xf32, #tpu.memory_space<vmem>>) target(%dma_start3A_117 : memref<80x128xf32, #tpu.memory_space<hbm>>) target_semaphore(%arg13 : memref<!tpu.dma_semaphore, #tpu.memory_space<semaphore_mem>>)
    %dma_wait3A_118 = arith.constant 0 : i32
    %dma_wait3A_119 = tpu.memref_slice %arg4[%mul3A_5, %dma_wait3A_118] : memref<10000x128xf32, #tpu.memory_space<hbm>> -> memref<80x128xf32, #tpu.memory_space<hbm>>
    %dma_wait3A_120 = arith.constant 0 : i32
    %dma_wait3A_121 = tpu.memref_slice %arg4[%mul3A_5, %dma_wait3A_120] : memref<10000x128xf32, #tpu.memory_space<hbm>> -> memref<80x128xf32, #tpu.memory_space<hbm>>
    tpu.wait_dma2 semaphore(%arg13 : memref<!tpu.dma_semaphore, #tpu.memory_space<semaphore_mem>>) src(%arg6 : memref<80x128xf32, #tpu.memory_space<vmem>>) dst(%dma_wait3A_121 : memref<80x128xf32, #tpu.memory_space<hbm>>)
    %dma_wait3A_122 = arith.constant 2 : i32
    %dma_wait3A_123 = arith.constant 0 : i32
    %dma_wait3A_124 = tpu.memref_slice %arg5[%dma_wait3A_122, %dma_wait3A_123] : memref<4x80xi32, #tpu.memory_space<vmem>> -> memref<1x80xi32, #tpu.memory_space<vmem>>
    %dma_wait3A_125 = tpu.memref_squeeze %dma_wait3A_124 : memref<1x80xi32, #tpu.memory_space<vmem>> -> memref<80xi32, #tpu.memory_space<vmem>>
    %dma_wait3A_126 = tpu.memref_slice %arg3[%mul3A_34] : memref<10000xi32, #tpu.memory_space<hbm>> -> memref<80xi32, #tpu.memory_space<hbm>>
    %dma_wait3A_127 = arith.constant 0 : i32
    %dma_wait3A_128 = tpu.memref_slice %arg5[%dma_wait3A_122, %dma_wait3A_127] : memref<4x80xi32, #tpu.memory_space<vmem>> -> memref<1x80xi32, #tpu.memory_space<vmem>>
    %dma_wait3A_129 = tpu.memref_squeeze %dma_wait3A_128 : memref<1x80xi32, #tpu.memory_space<vmem>> -> memref<80xi32, #tpu.memory_space<vmem>>
    %dma_wait3A_130 = tpu.memref_slice %arg3[%mul3A_34] : memref<10000xi32, #tpu.memory_space<hbm>> -> memref<80xi32, #tpu.memory_space<hbm>>
    tpu.wait_dma2 semaphore(%arg10 : memref<!tpu.dma_semaphore, #tpu.memory_space<semaphore_mem>>) src(%dma_wait3A_130 : memref<80xi32, #tpu.memory_space<hbm>>) dst(%dma_wait3A_129 : memref<80xi32, #tpu.memory_space<vmem>>)
    %dma_start3A_131 = arith.constant 2 : i32
    %dma_start3A_132 = arith.constant 0 : i32
    %dma_start3A_133 = tpu.memref_slice %arg5[%dma_start3A_131, %dma_start3A_132] : memref<4x80xi32, #tpu.memory_space<vmem>> -> memref<1x80xi32, #tpu.memory_space<vmem>>
    %dma_start3A_134 = tpu.memref_squeeze %dma_start3A_133 : memref<1x80xi32, #tpu.memory_space<vmem>> -> memref<80xi32, #tpu.memory_space<vmem>>
    %dma_start3A_135 = arith.constant 0 : i32
    %dma_start3A_136 = arith.constant 0 : i32
    %dma_start3A_137 = tpu.memref_slice %arg2[%dma_start3A_135, %dma_start3A_136] : memref<10000x128xf32, #tpu.memory_space<hbm>> -> memref<10000x128xf32, #tpu.memory_space<hbm>>
    tpu.enqueue_indirect_dma source(%dma_start3A_137 : memref<10000x128xf32, #tpu.memory_space<hbm>>) target(%arg8 : memref<80x128xf32, #tpu.memory_space<vmem>>) offsets(%dma_start3A_134 : memref<80xi32, #tpu.memory_space<vmem>>) semaphore(%arg11 : memref<!tpu.dma_semaphore, #tpu.memory_space<semaphore_mem>>)
    %dma_start3A_138 = arith.constant 0 : i32
    %dma_start3A_139 = tpu.memref_slice %arg2[%mul3A_34, %dma_start3A_138] : memref<10000x128xf32, #tpu.memory_space<hbm>> -> memref<80x128xf32, #tpu.memory_space<hbm>>
    %dma_start3A_140 = arith.constant 0 : i32
    %dma_start3A_141 = tpu.memref_slice %arg2[%mul3A_34, %dma_start3A_140] : memref<10000x128xf32, #tpu.memory_space<hbm>> -> memref<80x128xf32, #tpu.memory_space<hbm>>
    tpu.enqueue_dma source(%dma_start3A_141 : memref<80x128xf32, #tpu.memory_space<hbm>>) target(%arg6 : memref<80x128xf32, #tpu.memory_space<vmem>>) target_semaphore(%arg11 : memref<!tpu.dma_semaphore, #tpu.memory_space<semaphore_mem>>)
    %dma_wait3A_142 = arith.constant 1 : i32
    %dma_wait3A_143 = arith.constant 0 : i32
    %dma_wait3A_144 = tpu.memref_slice %arg5[%dma_wait3A_142, %dma_wait3A_143] : memref<4x80xi32, #tpu.memory_space<vmem>> -> memref<1x80xi32, #tpu.memory_space<vmem>>
    %dma_wait3A_145 = tpu.memref_squeeze %dma_wait3A_144 : memref<1x80xi32, #tpu.memory_space<vmem>> -> memref<80xi32, #tpu.memory_space<vmem>>
    %dma_wait3A_146 = arith.constant 0 : i32
    %dma_wait3A_147 = arith.constant 0 : i32
    %dma_wait3A_148 = tpu.memref_slice %arg2[%dma_wait3A_146, %dma_wait3A_147] : memref<10000x128xf32, #tpu.memory_space<hbm>> -> memref<10000x128xf32, #tpu.memory_space<hbm>>
    tpu.wait_indirect_dma semaphore(%arg12 : memref<!tpu.dma_semaphore, #tpu.memory_space<semaphore_mem>>) src(%dma_wait3A_148 : memref<10000x128xf32, #tpu.memory_space<hbm>>) dst(%arg9 : memref<80x128xf32, #tpu.memory_space<vmem>>)
    %dma_wait3A_149 = arith.constant 0 : i32
    %dma_wait3A_150 = tpu.memref_slice %arg2[%mul3A_19, %dma_wait3A_149] : memref<10000x128xf32, #tpu.memory_space<hbm>> -> memref<80x128xf32, #tpu.memory_space<hbm>>
    %dma_wait3A_151 = arith.constant 0 : i32
    %dma_wait3A_152 = tpu.memref_slice %arg2[%mul3A_19, %dma_wait3A_151] : memref<10000x128xf32, #tpu.memory_space<hbm>> -> memref<80x128xf32, #tpu.memory_space<hbm>>
    tpu.wait_dma2 semaphore(%arg12 : memref<!tpu.dma_semaphore, #tpu.memory_space<semaphore_mem>>) src(%dma_wait3A_152 : memref<80x128xf32, #tpu.memory_space<hbm>>) dst(%arg7 : memref<80x128xf32, #tpu.memory_space<vmem>>)
    %scan3A_153 = arith.constant 0 : i32
    %scan3A_154 = arith.constant 0 : i32
    %scan3A_155 = arith.constant 80 : i32
    %scan3A_156 = arith.addi %scan3A_154, %scan3A_155 : i32
    %scan3A_157 = arith.constant 1 : i32
    scf.for %scan3A_237 = %scan3A_154 to %scan3A_156 step %scan3A_157  : i32 {
      %get3A = arith.index_cast %scan3A_237 : i32 to index
      %get3A_238 = arith.constant 0 : index
      %get3A_239 = tpu.vector_load %arg7[%get3A, %get3A_238] {strides = array<i32>} : memref<80x128xf32, #tpu.memory_space<vmem>>, vector<1x16xf32>,
      %get3A_240 = vector.shape_cast %get3A_239 : vector<1x16xf32> to vector<16xf32>
      %mul3A_241 = arith.constant 0.699999988 : f32
      %mul3A_242 = vector.broadcast %mul3A_241 : f32 to vector<16xf32>
      %mul3A_243 = arith.mulf %mul3A_242, %get3A_240 : vector<16xf32>
      %get3A_244 = arith.index_cast %scan3A_237 : i32 to index
      %get3A_245 = arith.constant 0 : index
      %get3A_246 = tpu.vector_load %arg9[%get3A_244, %get3A_245] {strides = array<i32>} : memref<80x128xf32, #tpu.memory_space<vmem>>, vector<1x16xf32>,
      %get3A_247 = vector.shape_cast %get3A_246 : vector<1x16xf32> to vector<16xf32>
      %mul3A_248 = arith.constant 3.000000e-01 : f32
      %mul3A_249 = vector.broadcast %mul3A_248 : f32 to vector<16xf32>
      %mul3A_250 = arith.mulf %mul3A_249, %get3A_247 : vector<16xf32>
      %add3A_251 = arith.addf %mul3A_243, %mul3A_250 : vector<16xf32>
      %swap3A = arith.index_cast %scan3A_237 : i32 to index
      %swap3A_252 = arith.constant 0 : index
      %swap3A_253 = tpu.vector_load %arg7[%swap3A, %swap3A_252] {strides = array<i32>} : memref<80x128xf32, #tpu.memory_space<vmem>>, vector<1x16xf32>,
      %swap3A_254 = vector.shape_cast %swap3A_253 : vector<1x16xf32> to vector<16xf32>
      %swap3A_255 = vector.shape_cast %add3A_251 : vector<16xf32> to vector<1x16xf32>
      tpu.vector_store %arg7[%swap3A, %swap3A_252], %swap3A_255 {strides = array<i32>} : memref<80x128xf32, #tpu.memory_space<vmem>>, vector<1x16xf32>,
      %get3A_256 = arith.index_cast %scan3A_237 : i32 to index
      %get3A_257 = arith.constant 16 : index
      %get3A_258 = tpu.vector_load %arg7[%get3A_256, %get3A_257] {strides = array<i32>} : memref<80x128xf32, #tpu.memory_space<vmem>>, vector<1x16xf32>,
      %get3A_259 = vector.shape_cast %get3A_258 : vector<1x16xf32> to vector<16xf32>
      %mul3A_260 = arith.constant 0.699999988 : f32
      %mul3A_261 = vector.broadcast %mul3A_260 : f32 to vector<16xf32>
      %mul3A_262 = arith.mulf %mul3A_261, %get3A_259 : vector<16xf32>
      %get3A_263 = arith.index_cast %scan3A_237 : i32 to index
      %get3A_264 = arith.constant 16 : index
      %get3A_265 = tpu.vector_load %arg9[%get3A_263, %get3A_264] {strides = array<i32>} : memref<80x128xf32, #tpu.memory_space<vmem>>, vector<1x16xf32>,
      %get3A_266 = vector.shape_cast %get3A_265 : vector<1x16xf32> to vector<16xf32>
      %mul3A_267 = arith.constant 3.000000e-01 : f32
      %mul3A_268 = vector.broadcast %mul3A_267 : f32 to vector<16xf32>
      %mul3A_269 = arith.mulf %mul3A_268, %get3A_266 : vector<16xf32>
      %add3A_270 = arith.addf %mul3A_262, %mul3A_269 : vector<16xf32>
      %swap3A_271 = arith.index_cast %scan3A_237 : i32 to index
      %swap3A_272 = arith.constant 16 : index
      %swap3A_273 = tpu.vector_load %arg7[%swap3A_271, %swap3A_272] {strides = array<i32>} : memref<80x128xf32, #tpu.memory_space<vmem>>, vector<1x16xf32>,
      %swap3A_274 = vector.shape_cast %swap3A_273 : vector<1x16xf32> to vector<16xf32>
      %swap3A_275 = vector.shape_cast %add3A_270 : vector<16xf32> to vector<1x16xf32>
      tpu.vector_store %arg7[%swap3A_271, %swap3A_272], %swap3A_275 {strides = array<i32>} : memref<80x128xf32, #tpu.memory_space<vmem>>, vector<1x16xf32>,
      %get3A_276 = arith.index_cast %scan3A_237 : i32 to index
      %get3A_277 = arith.constant 32 : index
      %get3A_278 = tpu.vector_load %arg7[%get3A_276, %get3A_277] {strides = array<i32>} : memref<80x128xf32, #tpu.memory_space<vmem>>, vector<1x16xf32>,
      %get3A_279 = vector.shape_cast %get3A_278 : vector<1x16xf32> to vector<16xf32>
      %mul3A_280 = arith.constant 0.699999988 : f32
      %mul3A_281 = vector.broadcast %mul3A_280 : f32 to vector<16xf32>
      %mul3A_282 = arith.mulf %mul3A_281, %get3A_279 : vector<16xf32>
      %get3A_283 = arith.index_cast %scan3A_237 : i32 to index
      %get3A_284 = arith.constant 32 : index
      %get3A_285 = tpu.vector_load %arg9[%get3A_283, %get3A_284] {strides = array<i32>} : memref<80x128xf32, #tpu.memory_space<vmem>>, vector<1x16xf32>,
      %get3A_286 = vector.shape_cast %get3A_285 : vector<1x16xf32> to vector<16xf32>
      %mul3A_287 = arith.constant 3.000000e-01 : f32
      %mul3A_288 = vector.broadcast %mul3A_287 : f32 to vector<16xf32>
      %mul3A_289 = arith.mulf %mul3A_288, %get3A_286 : vector<16xf32>
      %add3A_290 = arith.addf %mul3A_282, %mul3A_289 : vector<16xf32>
      %swap3A_291 = arith.index_cast %scan3A_237 : i32 to index
      %swap3A_292 = arith.constant 32 : index
      %swap3A_293 = tpu.vector_load %arg7[%swap3A_291, %swap3A_292] {strides = array<i32>} : memref<80x128xf32, #tpu.memory_space<vmem>>, vector<1x16xf32>,
      %swap3A_294 = vector.shape_cast %swap3A_293 : vector<1x16xf32> to vector<16xf32>
      %swap3A_295 = vector.shape_cast %add3A_290 : vector<16xf32> to vector<1x16xf32>
      tpu.vector_store %arg7[%swap3A_291, %swap3A_292], %swap3A_295 {strides = array<i32>} : memref<80x128xf32, #tpu.memory_space<vmem>>, vector<1x16xf32>,
      %get3A_296 = arith.index_cast %scan3A_237 : i32 to index
      %get3A_297 = arith.constant 48 : index
      %get3A_298 = tpu.vector_load %arg7[%get3A_296, %get3A_297] {strides = array<i32>} : memref<80x128xf32, #tpu.memory_space<vmem>>, vector<1x16xf32>,
      %get3A_299 = vector.shape_cast %get3A_298 : vector<1x16xf32> to vector<16xf32>
      %mul3A_300 = arith.constant 0.699999988 : f32
      %mul3A_301 = vector.broadcast %mul3A_300 : f32 to vector<16xf32>
      %mul3A_302 = arith.mulf %mul3A_301, %get3A_299 : vector<16xf32>
      %get3A_303 = arith.index_cast %scan3A_237 : i32 to index
      %get3A_304 = arith.constant 48 : index
      %get3A_305 = tpu.vector_load %arg9[%get3A_303, %get3A_304] {strides = array<i32>} : memref<80x128xf32, #tpu.memory_space<vmem>>, vector<1x16xf32>,
      %get3A_306 = vector.shape_cast %get3A_305 : vector<1x16xf32> to vector<16xf32>
      %mul3A_307 = arith.constant 3.000000e-01 : f32
      %mul3A_308 = vector.broadcast %mul3A_307 : f32 to vector<16xf32>
      %mul3A_309 = arith.mulf %mul3A_308, %get3A_306 : vector<16xf32>
      %add3A_310 = arith.addf %mul3A_302, %mul3A_309 : vector<16xf32>
      %swap3A_311 = arith.index_cast %scan3A_237 : i32 to index
      %swap3A_312 = arith.constant 48 : index
      %swap3A_313 = tpu.vector_load %arg7[%swap3A_311, %swap3A_312] {strides = array<i32>} : memref<80x128xf32, #tpu.memory_space<vmem>>, vector<1x16xf32>,
      %swap3A_314 = vector.shape_cast %swap3A_313 : vector<1x16xf32> to vector<16xf32>
      %swap3A_315 = vector.shape_cast %add3A_310 : vector<16xf32> to vector<1x16xf32>
      tpu.vector_store %arg7[%swap3A_311, %swap3A_312], %swap3A_315 {strides = array<i32>} : memref<80x128xf32, #tpu.memory_space<vmem>>, vector<1x16xf32>,
      %get3A_316 = arith.index_cast %scan3A_237 : i32 to index
      %get3A_317 = arith.constant 64 : index
      %get3A_318 = tpu.vector_load %arg7[%get3A_316, %get3A_317] {strides = array<i32>} : memref<80x128xf32, #tpu.memory_space<vmem>>, vector<1x16xf32>,
      %get3A_319 = vector.shape_cast %get3A_318 : vector<1x16xf32> to vector<16xf32>
      %mul3A_320 = arith.constant 0.699999988 : f32
      %mul3A_321 = vector.broadcast %mul3A_320 : f32 to vector<16xf32>
      %mul3A_322 = arith.mulf %mul3A_321, %get3A_319 : vector<16xf32>
      %get3A_323 = arith.index_cast %scan3A_237 : i32 to index
      %get3A_324 = arith.constant 64 : index
      %get3A_325 = tpu.vector_load %arg9[%get3A_323, %get3A_324] {strides = array<i32>} : memref<80x128xf32, #tpu.memory_space<vmem>>, vector<1x16xf32>,
      %get3A_326 = vector.shape_cast %get3A_325 : vector<1x16xf32> to vector<16xf32>
      %mul3A_327 = arith.constant 3.000000e-01 : f32
      %mul3A_328 = vector.broadcast %mul3A_327 : f32 to vector<16xf32>
      %mul3A_329 = arith.mulf %mul3A_328, %get3A_326 : vector<16xf32>
      %add3A_330 = arith.addf %mul3A_322, %mul3A_329 : vector<16xf32>
      %swap3A_331 = arith.index_cast %scan3A_237 : i32 to index
      %swap3A_332 = arith.constant 64 : index
      %swap3A_333 = tpu.vector_load %arg7[%swap3A_331, %swap3A_332] {strides = array<i32>} : memref<80x128xf32, #tpu.memory_space<vmem>>, vector<1x16xf32>,
      %swap3A_334 = vector.shape_cast %swap3A_333 : vector<1x16xf32> to vector<16xf32>
      %swap3A_335 = vector.shape_cast %add3A_330 : vector<16xf32> to vector<1x16xf32>
      tpu.vector_store %arg7[%swap3A_331, %swap3A_332], %swap3A_335 {strides = array<i32>} : memref<80x128xf32, #tpu.memory_space<vmem>>, vector<1x16xf32>,
      %get3A_336 = arith.index_cast %scan3A_237 : i32 to index
      %get3A_337 = arith.constant 80 : index
      %get3A_338 = tpu.vector_load %arg7[%get3A_336, %get3A_337] {strides = array<i32>} : memref<80x128xf32, #tpu.memory_space<vmem>>, vector<1x16xf32>,
      %get3A_339 = vector.shape_cast %get3A_338 : vector<1x16xf32> to vector<16xf32>
      %mul3A_340 = arith.constant 0.699999988 : f32
      %mul3A_341 = vector.broadcast %mul3A_340 : f32 to vector<16xf32>
      %mul3A_342 = arith.mulf %mul3A_341, %get3A_339 : vector<16xf32>
      %get3A_343 = arith.index_cast %scan3A_237 : i32 to index
      %get3A_344 = arith.constant 80 : index
      %get3A_345 = tpu.vector_load %arg9[%get3A_343, %get3A_344] {strides = array<i32>} : memref<80x128xf32, #tpu.memory_space<vmem>>, vector<1x16xf32>,
      %get3A_346 = vector.shape_cast %get3A_345 : vector<1x16xf32> to vector<16xf32>
      %mul3A_347 = arith.constant 3.000000e-01 : f32
      %mul3A_348 = vector.broadcast %mul3A_347 : f32 to vector<16xf32>
      %mul3A_349 = arith.mulf %mul3A_348, %get3A_346 : vector<16xf32>
      %add3A_350 = arith.addf %mul3A_342, %mul3A_349 : vector<16xf32>
      %swap3A_351 = arith.index_cast %scan3A_237 : i32 to index
      %swap3A_352 = arith.constant 80 : index
      %swap3A_353 = tpu.vector_load %arg7[%swap3A_351, %swap3A_352] {strides = array<i32>} : memref<80x128xf32, #tpu.memory_space<vmem>>, vector<1x16xf32>,
      %swap3A_354 = vector.shape_cast %swap3A_353 : vector<1x16xf32> to vector<16xf32>
      %swap3A_355 = vector.shape_cast %add3A_350 : vector<16xf32> to vector<1x16xf32>
      tpu.vector_store %arg7[%swap3A_351, %swap3A_352], %swap3A_355 {strides = array<i32>} : memref<80x128xf32, #tpu.memory_space<vmem>>, vector<1x16xf32>,
      %get3A_356 = arith.index_cast %scan3A_237 : i32 to index
      %get3A_357 = arith.constant 96 : index
      %get3A_358 = tpu.vector_load %arg7[%get3A_356, %get3A_357] {strides = array<i32>} : memref<80x128xf32, #tpu.memory_space<vmem>>, vector<1x16xf32>,
      %get3A_359 = vector.shape_cast %get3A_358 : vector<1x16xf32> to vector<16xf32>
      %mul3A_360 = arith.constant 0.699999988 : f32
      %mul3A_361 = vector.broadcast %mul3A_360 : f32 to vector<16xf32>
      %mul3A_362 = arith.mulf %mul3A_361, %get3A_359 : vector<16xf32>
      %get3A_363 = arith.index_cast %scan3A_237 : i32 to index
      %get3A_364 = arith.constant 96 : index
      %get3A_365 = tpu.vector_load %arg9[%get3A_363, %get3A_364] {strides = array<i32>} : memref<80x128xf32, #tpu.memory_space<vmem>>, vector<1x16xf32>,
      %get3A_366 = vector.shape_cast %get3A_365 : vector<1x16xf32> to vector<16xf32>
      %mul3A_367 = arith.constant 3.000000e-01 : f32
      %mul3A_368 = vector.broadcast %mul3A_367 : f32 to vector<16xf32>
      %mul3A_369 = arith.mulf %mul3A_368, %get3A_366 : vector<16xf32>
      %add3A_370 = arith.addf %mul3A_362, %mul3A_369 : vector<16xf32>
      %swap3A_371 = arith.index_cast %scan3A_237 : i32 to index
      %swap3A_372 = arith.constant 96 : index
      %swap3A_373 = tpu.vector_load %arg7[%swap3A_371, %swap3A_372] {strides = array<i32>} : memref<80x128xf32, #tpu.memory_space<vmem>>, vector<1x16xf32>,
      %swap3A_374 = vector.shape_cast %swap3A_373 : vector<1x16xf32> to vector<16xf32>
      %swap3A_375 = vector.shape_cast %add3A_370 : vector<16xf32> to vector<1x16xf32>
      tpu.vector_store %arg7[%swap3A_371, %swap3A_372], %swap3A_375 {strides = array<i32>} : memref<80x128xf32, #tpu.memory_space<vmem>>, vector<1x16xf32>,
      %get3A_376 = arith.index_cast %scan3A_237 : i32 to index
      %get3A_377 = arith.constant 112 : index
      %get3A_378 = tpu.vector_load %arg7[%get3A_376, %get3A_377] {strides = array<i32>} : memref<80x128xf32, #tpu.memory_space<vmem>>, vector<1x16xf32>,
      %get3A_379 = vector.shape_cast %get3A_378 : vector<1x16xf32> to vector<16xf32>
      %mul3A_380 = arith.constant 0.699999988 : f32
      %mul3A_381 = vector.broadcast %mul3A_380 : f32 to vector<16xf32>
      %mul3A_382 = arith.mulf %mul3A_381, %get3A_379 : vector<16xf32>
      %get3A_383 = arith.index_cast %scan3A_237 : i32 to index
      %get3A_384 = arith.constant 112 : index
      %get3A_385 = tpu.vector_load %arg9[%get3A_383, %get3A_384] {strides = array<i32>} : memref<80x128xf32, #tpu.memory_space<vmem>>, vector<1x16xf32>,
      %get3A_386 = vector.shape_cast %get3A_385 : vector<1x16xf32> to vector<16xf32>
      %mul3A_387 = arith.constant 3.000000e-01 : f32
      %mul3A_388 = vector.broadcast %mul3A_387 : f32 to vector<16xf32>
      %mul3A_389 = arith.mulf %mul3A_388, %get3A_386 : vector<16xf32>
      %add3A_390 = arith.addf %mul3A_382, %mul3A_389 : vector<16xf32>
      %swap3A_391 = arith.index_cast %scan3A_237 : i32 to index
      %swap3A_392 = arith.constant 112 : index
      %swap3A_393 = tpu.vector_load %arg7[%swap3A_391, %swap3A_392] {strides = array<i32>} : memref<80x128xf32, #tpu.memory_space<vmem>>, vector<1x16xf32>,
      %swap3A_394 = vector.shape_cast %swap3A_393 : vector<1x16xf32> to vector<16xf32>
      %swap3A_395 = vector.shape_cast %add3A_390 : vector<16xf32> to vector<1x16xf32>
      tpu.vector_store %arg7[%swap3A_391, %swap3A_392], %swap3A_395 {strides = array<i32>} : memref<80x128xf32, #tpu.memory_space<vmem>>, vector<1x16xf32>,
    }
    %scan3A_158 = arith.constant 80 : i32
    %dma_start3A_159 = arith.constant 0 : i32
    %dma_start3A_160 = tpu.memref_slice %arg4[%mul3A_19, %dma_start3A_159] : memref<10000x128xf32, #tpu.memory_space<hbm>> -> memref<80x128xf32, #tpu.memory_space<hbm>>
    %dma_start3A_161 = arith.constant 0 : i32
    %dma_start3A_162 = tpu.memref_slice %arg4[%mul3A_19, %dma_start3A_161] : memref<10000x128xf32, #tpu.memory_space<hbm>> -> memref<80x128xf32, #tpu.memory_space<hbm>>
    tpu.enqueue_dma source(%arg7 : memref<80x128xf32, #tpu.memory_space<vmem>>) target(%dma_start3A_162 : memref<80x128xf32, #tpu.memory_space<hbm>>) target_semaphore(%arg14 : memref<!tpu.dma_semaphore, #tpu.memory_space<semaphore_mem>>)
    %dma_wait3A_163 = arith.constant 0 : i32
    %dma_wait3A_164 = tpu.memref_slice %arg4[%mul3A_19, %dma_wait3A_163] : memref<10000x128xf32, #tpu.memory_space<hbm>> -> memref<80x128xf32, #tpu.memory_space<hbm>>
    %dma_wait3A_165 = arith.constant 0 : i32
    %dma_wait3A_166 = tpu.memref_slice %arg4[%mul3A_19, %dma_wait3A_165] : memref<10000x128xf32, #tpu.memory_space<hbm>> -> memref<80x128xf32, #tpu.memory_space<hbm>>
    tpu.wait_dma2 semaphore(%arg14 : memref<!tpu.dma_semaphore, #tpu.memory_space<semaphore_mem>>) src(%arg7 : memref<80x128xf32, #tpu.memory_space<vmem>>) dst(%dma_wait3A_166 : memref<80x128xf32, #tpu.memory_space<hbm>>)
    %dma_wait3A_167 = arith.constant 3 : i32
    %dma_wait3A_168 = arith.constant 0 : i32
    %dma_wait3A_169 = tpu.memref_slice %arg5[%dma_wait3A_167, %dma_wait3A_168] : memref<4x80xi32, #tpu.memory_space<vmem>> -> memref<1x80xi32, #tpu.memory_space<vmem>>
    %dma_wait3A_170 = tpu.memref_squeeze %dma_wait3A_169 : memref<1x80xi32, #tpu.memory_space<vmem>> -> memref<80xi32, #tpu.memory_space<vmem>>
    %dma_wait3A_171 = tpu.memref_slice %arg3[%mul3A_49] : memref<10000xi32, #tpu.memory_space<hbm>> -> memref<80xi32, #tpu.memory_space<hbm>>
    %dma_wait3A_172 = arith.constant 0 : i32
    %dma_wait3A_173 = tpu.memref_slice %arg5[%dma_wait3A_167, %dma_wait3A_172] : memref<4x80xi32, #tpu.memory_space<vmem>> -> memref<1x80xi32, #tpu.memory_space<vmem>>
    %dma_wait3A_174 = tpu.memref_squeeze %dma_wait3A_173 : memref<1x80xi32, #tpu.memory_space<vmem>> -> memref<80xi32, #tpu.memory_space<vmem>>
    %dma_wait3A_175 = tpu.memref_slice %arg3[%mul3A_49] : memref<10000xi32, #tpu.memory_space<hbm>> -> memref<80xi32, #tpu.memory_space<hbm>>
    tpu.wait_dma2 semaphore(%arg10 : memref<!tpu.dma_semaphore, #tpu.memory_space<semaphore_mem>>) src(%dma_wait3A_175 : memref<80xi32, #tpu.memory_space<hbm>>) dst(%dma_wait3A_174 : memref<80xi32, #tpu.memory_space<vmem>>)
    %dma_start3A_176 = arith.constant 3 : i32
    %dma_start3A_177 = arith.constant 0 : i32
    %dma_start3A_178 = tpu.memref_slice %arg5[%dma_start3A_176, %dma_start3A_177] : memref<4x80xi32, #tpu.memory_space<vmem>> -> memref<1x80xi32, #tpu.memory_space<vmem>>
    %dma_start3A_179 = tpu.memref_squeeze %dma_start3A_178 : memref<1x80xi32, #tpu.memory_space<vmem>> -> memref<80xi32, #tpu.memory_space<vmem>>
    %dma_start3A_180 = arith.constant 0 : i32
    %dma_start3A_181 = arith.constant 0 : i32
    %dma_start3A_182 = tpu.memref_slice %arg2[%dma_start3A_180, %dma_start3A_181] : memref<10000x128xf32, #tpu.memory_space<hbm>> -> memref<10000x128xf32, #tpu.memory_space<hbm>>
    tpu.enqueue_indirect_dma source(%dma_start3A_182 : memref<10000x128xf32, #tpu.memory_space<hbm>>) target(%arg9 : memref<80x128xf32, #tpu.memory_space<vmem>>) offsets(%dma_start3A_179 : memref<80xi32, #tpu.memory_space<vmem>>) semaphore(%arg12 : memref<!tpu.dma_semaphore, #tpu.memory_space<semaphore_mem>>)
    %dma_start3A_183 = arith.constant 0 : i32
    %dma_start3A_184 = tpu.memref_slice %arg2[%mul3A_49, %dma_start3A_183] : memref<10000x128xf32, #tpu.memory_space<hbm>> -> memref<80x128xf32, #tpu.memory_space<hbm>>
    %dma_start3A_185 = arith.constant 0 : i32
    %dma_start3A_186 = tpu.memref_slice %arg2[%mul3A_49, %dma_start3A_185] : memref<10000x128xf32, #tpu.memory_space<hbm>> -> memref<80x128xf32, #tpu.memory_space<hbm>>
    tpu.enqueue_dma source(%dma_start3A_186 : memref<80x128xf32, #tpu.memory_space<hbm>>) target(%arg7 : memref<80x128xf32, #tpu.memory_space<vmem>>) target_semaphore(%arg12 : memref<!tpu.dma_semaphore, #tpu.memory_space<semaphore_mem>>)
    %dma_wait3A_187 = arith.constant 2 : i32
    %dma_wait3A_188 = arith.constant 0 : i32
    %dma_wait3A_189 = tpu.memref_slice %arg5[%dma_wait3A_187, %dma_wait3A_188] : memref<4x80xi32, #tpu.memory_space<vmem>> -> memref<1x80xi32, #tpu.memory_space<vmem>>
    %dma_wait3A_190 = tpu.memref_squeeze %dma_wait3A_189 : memref<1x80xi32, #tpu.memory_space<vmem>> -> memref<80xi32, #tpu.memory_space<vmem>>
    %dma_wait3A_191 = arith.constant 0 : i32
    %dma_wait3A_192 = arith.constant 0 : i32
    %dma_wait3A_193 = tpu.memref_slice %arg2[%dma_wait3A_191, %dma_wait3A_192] : memref<10000x128xf32, #tpu.memory_space<hbm>> -> memref<10000x128xf32, #tpu.memory_space<hbm>>
    tpu.wait_indirect_dma semaphore(%arg11 : memref<!tpu.dma_semaphore, #tpu.memory_space<semaphore_mem>>) src(%dma_wait3A_193 : memref<10000x128xf32, #tpu.memory_space<hbm>>) dst(%arg8 : memref<80x128xf32, #tpu.memory_space<vmem>>)
    %dma_wait3A_194 = arith.constant 0 : i32
    %dma_wait3A_195 = tpu.memref_slice %arg2[%mul3A_34, %dma_wait3A_194] : memref<10000x128xf32, #tpu.memory_space<hbm>> -> memref<80x128xf32, #tpu.memory_space<hbm>>
    %dma_wait3A_196 = arith.constant 0 : i32
    %dma_wait3A_197 = tpu.memref_slice %arg2[%mul3A_34, %dma_wait3A_196] : memref<10000x128xf32, #tpu.memory_space<hbm>> -> memref<80x128xf32, #tpu.memory_space<hbm>>
    tpu.wait_dma2 semaphore(%arg11 : memref<!tpu.dma_semaphore, #tpu.memory_space<semaphore_mem>>) src(%dma_wait3A_197 : memref<80x128xf32, #tpu.memory_space<hbm>>) dst(%arg6 : memref<80x128xf32, #tpu.memory_space<vmem>>)
    %scan3A_198 = arith.constant 0 : i32
    %scan3A_199 = arith.constant 0 : i32
    %scan3A_200 = arith.constant 80 : i32
    %scan3A_201 = arith.addi %scan3A_199, %scan3A_200 : i32
    %scan3A_202 = arith.constant 1 : i32
    scf.for %scan3A_237 = %scan3A_199 to %scan3A_201 step %scan3A_202  : i32 {
      %get3A = arith.index_cast %scan3A_237 : i32 to index
      %get3A_238 = arith.constant 0 : index
      %get3A_239 = tpu.vector_load %arg6[%get3A, %get3A_238] {strides = array<i32>} : memref<80x128xf32, #tpu.memory_space<vmem>>, vector<1x16xf32>,
      %get3A_240 = vector.shape_cast %get3A_239 : vector<1x16xf32> to vector<16xf32>
      %mul3A_241 = arith.constant 0.699999988 : f32
      %mul3A_242 = vector.broadcast %mul3A_241 : f32 to vector<16xf32>
      %mul3A_243 = arith.mulf %mul3A_242, %get3A_240 : vector<16xf32>
      %get3A_244 = arith.index_cast %scan3A_237 : i32 to index
      %get3A_245 = arith.constant 0 : index
      %get3A_246 = tpu.vector_load %arg8[%get3A_244, %get3A_245] {strides = array<i32>} : memref<80x128xf32, #tpu.memory_space<vmem>>, vector<1x16xf32>,
      %get3A_247 = vector.shape_cast %get3A_246 : vector<1x16xf32> to vector<16xf32>
      %mul3A_248 = arith.constant 3.000000e-01 : f32
      %mul3A_249 = vector.broadcast %mul3A_248 : f32 to vector<16xf32>
      %mul3A_250 = arith.mulf %mul3A_249, %get3A_247 : vector<16xf32>
      %add3A_251 = arith.addf %mul3A_243, %mul3A_250 : vector<16xf32>
      %swap3A = arith.index_cast %scan3A_237 : i32 to index
      %swap3A_252 = arith.constant 0 : index
      %swap3A_253 = tpu.vector_load %arg6[%swap3A, %swap3A_252] {strides = array<i32>} : memref<80x128xf32, #tpu.memory_space<vmem>>, vector<1x16xf32>,
      %swap3A_254 = vector.shape_cast %swap3A_253 : vector<1x16xf32> to vector<16xf32>
      %swap3A_255 = vector.shape_cast %add3A_251 : vector<16xf32> to vector<1x16xf32>
      tpu.vector_store %arg6[%swap3A, %swap3A_252], %swap3A_255 {strides = array<i32>} : memref<80x128xf32, #tpu.memory_space<vmem>>, vector<1x16xf32>,
      %get3A_256 = arith.index_cast %scan3A_237 : i32 to index
      %get3A_257 = arith.constant 16 : index
      %get3A_258 = tpu.vector_load %arg6[%get3A_256, %get3A_257] {strides = array<i32>} : memref<80x128xf32, #tpu.memory_space<vmem>>, vector<1x16xf32>,
      %get3A_259 = vector.shape_cast %get3A_258 : vector<1x16xf32> to vector<16xf32>
      %mul3A_260 = arith.constant 0.699999988 : f32
      %mul3A_261 = vector.broadcast %mul3A_260 : f32 to vector<16xf32>
      %mul3A_262 = arith.mulf %mul3A_261, %get3A_259 : vector<16xf32>
      %get3A_263 = arith.index_cast %scan3A_237 : i32 to index
      %get3A_264 = arith.constant 16 : index
      %get3A_265 = tpu.vector_load %arg8[%get3A_263, %get3A_264] {strides = array<i32>} : memref<80x128xf32, #tpu.memory_space<vmem>>, vector<1x16xf32>,
      %get3A_266 = vector.shape_cast %get3A_265 : vector<1x16xf32> to vector<16xf32>
      %mul3A_267 = arith.constant 3.000000e-01 : f32
      %mul3A_268 = vector.broadcast %mul3A_267 : f32 to vector<16xf32>
      %mul3A_269 = arith.mulf %mul3A_268, %get3A_266 : vector<16xf32>
      %add3A_270 = arith.addf %mul3A_262, %mul3A_269 : vector<16xf32>
      %swap3A_271 = arith.index_cast %scan3A_237 : i32 to index
      %swap3A_272 = arith.constant 16 : index
      %swap3A_273 = tpu.vector_load %arg6[%swap3A_271, %swap3A_272] {strides = array<i32>} : memref<80x128xf32, #tpu.memory_space<vmem>>, vector<1x16xf32>,
      %swap3A_274 = vector.shape_cast %swap3A_273 : vector<1x16xf32> to vector<16xf32>
      %swap3A_275 = vector.shape_cast %add3A_270 : vector<16xf32> to vector<1x16xf32>
      tpu.vector_store %arg6[%swap3A_271, %swap3A_272], %swap3A_275 {strides = array<i32>} : memref<80x128xf32, #tpu.memory_space<vmem>>, vector<1x16xf32>,
      %get3A_276 = arith.index_cast %scan3A_237 : i32 to index
      %get3A_277 = arith.constant 32 : index
      %get3A_278 = tpu.vector_load %arg6[%get3A_276, %get3A_277] {strides = array<i32>} : memref<80x128xf32, #tpu.memory_space<vmem>>, vector<1x16xf32>,
      %get3A_279 = vector.shape_cast %get3A_278 : vector<1x16xf32> to vector<16xf32>
      %mul3A_280 = arith.constant 0.699999988 : f32
      %mul3A_281 = vector.broadcast %mul3A_280 : f32 to vector<16xf32>
      %mul3A_282 = arith.mulf %mul3A_281, %get3A_279 : vector<16xf32>
      %get3A_283 = arith.index_cast %scan3A_237 : i32 to index
      %get3A_284 = arith.constant 32 : index
      %get3A_285 = tpu.vector_load %arg8[%get3A_283, %get3A_284] {strides = array<i32>} : memref<80x128xf32, #tpu.memory_space<vmem>>, vector<1x16xf32>,
      %get3A_286 = vector.shape_cast %get3A_285 : vector<1x16xf32> to vector<16xf32>
      %mul3A_287 = arith.constant 3.000000e-01 : f32
      %mul3A_288 = vector.broadcast %mul3A_287 : f32 to vector<16xf32>
      %mul3A_289 = arith.mulf %mul3A_288, %get3A_286 : vector<16xf32>
      %add3A_290 = arith.addf %mul3A_282, %mul3A_289 : vector<16xf32>
      %swap3A_291 = arith.index_cast %scan3A_237 : i32 to index
      %swap3A_292 = arith.constant 32 : index
      %swap3A_293 = tpu.vector_load %arg6[%swap3A_291, %swap3A_292] {strides = array<i32>} : memref<80x128xf32, #tpu.memory_space<vmem>>, vector<1x16xf32>,
      %swap3A_294 = vector.shape_cast %swap3A_293 : vector<1x16xf32> to vector<16xf32>
      %swap3A_295 = vector.shape_cast %add3A_290 : vector<16xf32> to vector<1x16xf32>
      tpu.vector_store %arg6[%swap3A_291, %swap3A_292], %swap3A_295 {strides = array<i32>} : memref<80x128xf32, #tpu.memory_space<vmem>>, vector<1x16xf32>,
      %get3A_296 = arith.index_cast %scan3A_237 : i32 to index
      %get3A_297 = arith.constant 48 : index
      %get3A_298 = tpu.vector_load %arg6[%get3A_296, %get3A_297] {strides = array<i32>} : memref<80x128xf32, #tpu.memory_space<vmem>>, vector<1x16xf32>,
      %get3A_299 = vector.shape_cast %get3A_298 : vector<1x16xf32> to vector<16xf32>
      %mul3A_300 = arith.constant 0.699999988 : f32
      %mul3A_301 = vector.broadcast %mul3A_300 : f32 to vector<16xf32>
      %mul3A_302 = arith.mulf %mul3A_301, %get3A_299 : vector<16xf32>
      %get3A_303 = arith.index_cast %scan3A_237 : i32 to index
      %get3A_304 = arith.constant 48 : index
      %get3A_305 = tpu.vector_load %arg8[%get3A_303, %get3A_304] {strides = array<i32>} : memref<80x128xf32, #tpu.memory_space<vmem>>, vector<1x16xf32>,
      %get3A_306 = vector.shape_cast %get3A_305 : vector<1x16xf32> to vector<16xf32>
      %mul3A_307 = arith.constant 3.000000e-01 : f32
      %mul3A_308 = vector.broadcast %mul3A_307 : f32 to vector<16xf32>
      %mul3A_309 = arith.mulf %mul3A_308, %get3A_306 : vector<16xf32>
      %add3A_310 = arith.addf %mul3A_302, %mul3A_309 : vector<16xf32>
      %swap3A_311 = arith.index_cast %scan3A_237 : i32 to index
      %swap3A_312 = arith.constant 48 : index
      %swap3A_313 = tpu.vector_load %arg6[%swap3A_311, %swap3A_312] {strides = array<i32>} : memref<80x128xf32, #tpu.memory_space<vmem>>, vector<1x16xf32>,
      %swap3A_314 = vector.shape_cast %swap3A_313 : vector<1x16xf32> to vector<16xf32>
      %swap3A_315 = vector.shape_cast %add3A_310 : vector<16xf32> to vector<1x16xf32>
      tpu.vector_store %arg6[%swap3A_311, %swap3A_312], %swap3A_315 {strides = array<i32>} : memref<80x128xf32, #tpu.memory_space<vmem>>, vector<1x16xf32>,
      %get3A_316 = arith.index_cast %scan3A_237 : i32 to index
      %get3A_317 = arith.constant 64 : index
      %get3A_318 = tpu.vector_load %arg6[%get3A_316, %get3A_317] {strides = array<i32>} : memref<80x128xf32, #tpu.memory_space<vmem>>, vector<1x16xf32>,
      %get3A_319 = vector.shape_cast %get3A_318 : vector<1x16xf32> to vector<16xf32>
      %mul3A_320 = arith.constant 0.699999988 : f32
      %mul3A_321 = vector.broadcast %mul3A_320 : f32 to vector<16xf32>
      %mul3A_322 = arith.mulf %mul3A_321, %get3A_319 : vector<16xf32>
      %get3A_323 = arith.index_cast %scan3A_237 : i32 to index
      %get3A_324 = arith.constant 64 : index
      %get3A_325 = tpu.vector_load %arg8[%get3A_323, %get3A_324] {strides = array<i32>} : memref<80x128xf32, #tpu.memory_space<vmem>>, vector<1x16xf32>,
      %get3A_326 = vector.shape_cast %get3A_325 : vector<1x16xf32> to vector<16xf32>
      %mul3A_327 = arith.constant 3.000000e-01 : f32
      %mul3A_328 = vector.broadcast %mul3A_327 : f32 to vector<16xf32>
      %mul3A_329 = arith.mulf %mul3A_328, %get3A_326 : vector<16xf32>
      %add3A_330 = arith.addf %mul3A_322, %mul3A_329 : vector<16xf32>
      %swap3A_331 = arith.index_cast %scan3A_237 : i32 to index
      %swap3A_332 = arith.constant 64 : index
      %swap3A_333 = tpu.vector_load %arg6[%swap3A_331, %swap3A_332] {strides = array<i32>} : memref<80x128xf32, #tpu.memory_space<vmem>>, vector<1x16xf32>,
      %swap3A_334 = vector.shape_cast %swap3A_333 : vector<1x16xf32> to vector<16xf32>
      %swap3A_335 = vector.shape_cast %add3A_330 : vector<16xf32> to vector<1x16xf32>
      tpu.vector_store %arg6[%swap3A_331, %swap3A_332], %swap3A_335 {strides = array<i32>} : memref<80x128xf32, #tpu.memory_space<vmem>>, vector<1x16xf32>,
      %get3A_336 = arith.index_cast %scan3A_237 : i32 to index
      %get3A_337 = arith.constant 80 : index
      %get3A_338 = tpu.vector_load %arg6[%get3A_336, %get3A_337] {strides = array<i32>} : memref<80x128xf32, #tpu.memory_space<vmem>>, vector<1x16xf32>,
      %get3A_339 = vector.shape_cast %get3A_338 : vector<1x16xf32> to vector<16xf32>
      %mul3A_340 = arith.constant 0.699999988 : f32
      %mul3A_341 = vector.broadcast %mul3A_340 : f32 to vector<16xf32>
      %mul3A_342 = arith.mulf %mul3A_341, %get3A_339 : vector<16xf32>
      %get3A_343 = arith.index_cast %scan3A_237 : i32 to index
      %get3A_344 = arith.constant 80 : index
      %get3A_345 = tpu.vector_load %arg8[%get3A_343, %get3A_344] {strides = array<i32>} : memref<80x128xf32, #tpu.memory_space<vmem>>, vector<1x16xf32>,
      %get3A_346 = vector.shape_cast %get3A_345 : vector<1x16xf32> to vector<16xf32>
      %mul3A_347 = arith.constant 3.000000e-01 : f32
      %mul3A_348 = vector.broadcast %mul3A_347 : f32 to vector<16xf32>
      %mul3A_349 = arith.mulf %mul3A_348, %get3A_346 : vector<16xf32>
      %add3A_350 = arith.addf %mul3A_342, %mul3A_349 : vector<16xf32>
      %swap3A_351 = arith.index_cast %scan3A_237 : i32 to index
      %swap3A_352 = arith.constant 80 : index
      %swap3A_353 = tpu.vector_load %arg6[%swap3A_351, %swap3A_352] {strides = array<i32>} : memref<80x128xf32, #tpu.memory_space<vmem>>, vector<1x16xf32>,
      %swap3A_354 = vector.shape_cast %swap3A_353 : vector<1x16xf32> to vector<16xf32>
      %swap3A_355 = vector.shape_cast %add3A_350 : vector<16xf32> to vector<1x16xf32>
      tpu.vector_store %arg6[%swap3A_351, %swap3A_352], %swap3A_355 {strides = array<i32>} : memref<80x128xf32, #tpu.memory_space<vmem>>, vector<1x16xf32>,
      %get3A_356 = arith.index_cast %scan3A_237 : i32 to index
      %get3A_357 = arith.constant 96 : index
      %get3A_358 = tpu.vector_load %arg6[%get3A_356, %get3A_357] {strides = array<i32>} : memref<80x128xf32, #tpu.memory_space<vmem>>, vector<1x16xf32>,
      %get3A_359 = vector.shape_cast %get3A_358 : vector<1x16xf32> to vector<16xf32>
      %mul3A_360 = arith.constant 0.699999988 : f32
      %mul3A_361 = vector.broadcast %mul3A_360 : f32 to vector<16xf32>
      %mul3A_362 = arith.mulf %mul3A_361, %get3A_359 : vector<16xf32>
      %get3A_363 = arith.index_cast %scan3A_237 : i32 to index
      %get3A_364 = arith.constant 96 : index
      %get3A_365 = tpu.vector_load %arg8[%get3A_363, %get3A_364] {strides = array<i32>} : memref<80x128xf32, #tpu.memory_space<vmem>>, vector<1x16xf32>,
      %get3A_366 = vector.shape_cast %get3A_365 : vector<1x16xf32> to vector<16xf32>
      %mul3A_367 = arith.constant 3.000000e-01 : f32
      %mul3A_368 = vector.broadcast %mul3A_367 : f32 to vector<16xf32>
      %mul3A_369 = arith.mulf %mul3A_368, %get3A_366 : vector<16xf32>
      %add3A_370 = arith.addf %mul3A_362, %mul3A_369 : vector<16xf32>
      %swap3A_371 = arith.index_cast %scan3A_237 : i32 to index
      %swap3A_372 = arith.constant 96 : index
      %swap3A_373 = tpu.vector_load %arg6[%swap3A_371, %swap3A_372] {strides = array<i32>} : memref<80x128xf32, #tpu.memory_space<vmem>>, vector<1x16xf32>,
      %swap3A_374 = vector.shape_cast %swap3A_373 : vector<1x16xf32> to vector<16xf32>
      %swap3A_375 = vector.shape_cast %add3A_370 : vector<16xf32> to vector<1x16xf32>
      tpu.vector_store %arg6[%swap3A_371, %swap3A_372], %swap3A_375 {strides = array<i32>} : memref<80x128xf32, #tpu.memory_space<vmem>>, vector<1x16xf32>,
      %get3A_376 = arith.index_cast %scan3A_237 : i32 to index
      %get3A_377 = arith.constant 112 : index
      %get3A_378 = tpu.vector_load %arg6[%get3A_376, %get3A_377] {strides = array<i32>} : memref<80x128xf32, #tpu.memory_space<vmem>>, vector<1x16xf32>,
      %get3A_379 = vector.shape_cast %get3A_378 : vector<1x16xf32> to vector<16xf32>
      %mul3A_380 = arith.constant 0.699999988 : f32
      %mul3A_381 = vector.broadcast %mul3A_380 : f32 to vector<16xf32>
      %mul3A_382 = arith.mulf %mul3A_381, %get3A_379 : vector<16xf32>
      %get3A_383 = arith.index_cast %scan3A_237 : i32 to index
      %get3A_384 = arith.constant 112 : index
      %get3A_385 = tpu.vector_load %arg8[%get3A_383, %get3A_384] {strides = array<i32>} : memref<80x128xf32, #tpu.memory_space<vmem>>, vector<1x16xf32>,
      %get3A_386 = vector.shape_cast %get3A_385 : vector<1x16xf32> to vector<16xf32>
      %mul3A_387 = arith.constant 3.000000e-01 : f32
      %mul3A_388 = vector.broadcast %mul3A_387 : f32 to vector<16xf32>
      %mul3A_389 = arith.mulf %mul3A_388, %get3A_386 : vector<16xf32>
      %add3A_390 = arith.addf %mul3A_382, %mul3A_389 : vector<16xf32>
      %swap3A_391 = arith.index_cast %scan3A_237 : i32 to index
      %swap3A_392 = arith.constant 112 : index
      %swap3A_393 = tpu.vector_load %arg6[%swap3A_391, %swap3A_392] {strides = array<i32>} : memref<80x128xf32, #tpu.memory_space<vmem>>, vector<1x16xf32>,
      %swap3A_394 = vector.shape_cast %swap3A_393 : vector<1x16xf32> to vector<16xf32>
      %swap3A_395 = vector.shape_cast %add3A_390 : vector<16xf32> to vector<1x16xf32>
      tpu.vector_store %arg6[%swap3A_391, %swap3A_392], %swap3A_395 {strides = array<i32>} : memref<80x128xf32, #tpu.memory_space<vmem>>, vector<1x16xf32>,
    }
    %scan3A_203 = arith.constant 80 : i32
    %dma_start3A_204 = arith.constant 0 : i32
    %dma_start3A_205 = tpu.memref_slice %arg4[%mul3A_34, %dma_start3A_204] : memref<10000x128xf32, #tpu.memory_space<hbm>> -> memref<80x128xf32, #tpu.memory_space<hbm>>
    %dma_start3A_206 = arith.constant 0 : i32
    %dma_start3A_207 = tpu.memref_slice %arg4[%mul3A_34, %dma_start3A_206] : memref<10000x128xf32, #tpu.memory_space<hbm>> -> memref<80x128xf32, #tpu.memory_space<hbm>>
    tpu.enqueue_dma source(%arg6 : memref<80x128xf32, #tpu.memory_space<vmem>>) target(%dma_start3A_207 : memref<80x128xf32, #tpu.memory_space<hbm>>) target_semaphore(%arg13 : memref<!tpu.dma_semaphore, #tpu.memory_space<semaphore_mem>>)
    %dma_wait3A_208 = arith.constant 3 : i32
    %dma_wait3A_209 = arith.constant 0 : i32
    %dma_wait3A_210 = tpu.memref_slice %arg5[%dma_wait3A_208, %dma_wait3A_209] : memref<4x80xi32, #tpu.memory_space<vmem>> -> memref<1x80xi32, #tpu.memory_space<vmem>>
    %dma_wait3A_211 = tpu.memref_squeeze %dma_wait3A_210 : memref<1x80xi32, #tpu.memory_space<vmem>> -> memref<80xi32, #tpu.memory_space<vmem>>
    %dma_wait3A_212 = arith.constant 0 : i32
    %dma_wait3A_213 = arith.constant 0 : i32
    %dma_wait3A_214 = tpu.memref_slice %arg2[%dma_wait3A_212, %dma_wait3A_213] : memref<10000x128xf32, #tpu.memory_space<hbm>> -> memref<10000x128xf32, #tpu.memory_space<hbm>>
    tpu.wait_indirect_dma semaphore(%arg12 : memref<!tpu.dma_semaphore, #tpu.memory_space<semaphore_mem>>) src(%dma_wait3A_214 : memref<10000x128xf32, #tpu.memory_space<hbm>>) dst(%arg9 : memref<80x128xf32, #tpu.memory_space<vmem>>)
    %dma_wait3A_215 = arith.constant 0 : i32
    %dma_wait3A_216 = tpu.memref_slice %arg2[%mul3A_49, %dma_wait3A_215] : memref<10000x128xf32, #tpu.memory_space<hbm>> -> memref<80x128xf32, #tpu.memory_space<hbm>>
    %dma_wait3A_217 = arith.constant 0 : i32
    %dma_wait3A_218 = tpu.memref_slice %arg2[%mul3A_49, %dma_wait3A_217] : memref<10000x128xf32, #tpu.memory_space<hbm>> -> memref<80x128xf32, #tpu.memory_space<hbm>>
    tpu.wait_dma2 semaphore(%arg12 : memref<!tpu.dma_semaphore, #tpu.memory_space<semaphore_mem>>) src(%dma_wait3A_218 : memref<80x128xf32, #tpu.memory_space<hbm>>) dst(%arg7 : memref<80x128xf32, #tpu.memory_space<vmem>>)
    %scan3A_219 = arith.constant 0 : i32
    %scan3A_220 = arith.constant 0 : i32
    %scan3A_221 = arith.constant 80 : i32
    %scan3A_222 = arith.addi %scan3A_220, %scan3A_221 : i32
    %scan3A_223 = arith.constant 1 : i32
    scf.for %scan3A_237 = %scan3A_220 to %scan3A_222 step %scan3A_223  : i32 {
      %get3A = arith.index_cast %scan3A_237 : i32 to index
      %get3A_238 = arith.constant 0 : index
      %get3A_239 = tpu.vector_load %arg7[%get3A, %get3A_238] {strides = array<i32>} : memref<80x128xf32, #tpu.memory_space<vmem>>, vector<1x16xf32>,
      %get3A_240 = vector.shape_cast %get3A_239 : vector<1x16xf32> to vector<16xf32>
      %mul3A_241 = arith.constant 0.699999988 : f32
      %mul3A_242 = vector.broadcast %mul3A_241 : f32 to vector<16xf32>
      %mul3A_243 = arith.mulf %mul3A_242, %get3A_240 : vector<16xf32>
      %get3A_244 = arith.index_cast %scan3A_237 : i32 to index
      %get3A_245 = arith.constant 0 : index
      %get3A_246 = tpu.vector_load %arg9[%get3A_244, %get3A_245] {strides = array<i32>} : memref<80x128xf32, #tpu.memory_space<vmem>>, vector<1x16xf32>,
      %get3A_247 = vector.shape_cast %get3A_246 : vector<1x16xf32> to vector<16xf32>
      %mul3A_248 = arith.constant 3.000000e-01 : f32
      %mul3A_249 = vector.broadcast %mul3A_248 : f32 to vector<16xf32>
      %mul3A_250 = arith.mulf %mul3A_249, %get3A_247 : vector<16xf32>
      %add3A_251 = arith.addf %mul3A_243, %mul3A_250 : vector<16xf32>
      %swap3A = arith.index_cast %scan3A_237 : i32 to index
      %swap3A_252 = arith.constant 0 : index
      %swap3A_253 = tpu.vector_load %arg7[%swap3A, %swap3A_252] {strides = array<i32>} : memref<80x128xf32, #tpu.memory_space<vmem>>, vector<1x16xf32>,
      %swap3A_254 = vector.shape_cast %swap3A_253 : vector<1x16xf32> to vector<16xf32>
      %swap3A_255 = vector.shape_cast %add3A_251 : vector<16xf32> to vector<1x16xf32>
      tpu.vector_store %arg7[%swap3A, %swap3A_252], %swap3A_255 {strides = array<i32>} : memref<80x128xf32, #tpu.memory_space<vmem>>, vector<1x16xf32>,
      %get3A_256 = arith.index_cast %scan3A_237 : i32 to index
      %get3A_257 = arith.constant 16 : index
      %get3A_258 = tpu.vector_load %arg7[%get3A_256, %get3A_257] {strides = array<i32>} : memref<80x128xf32, #tpu.memory_space<vmem>>, vector<1x16xf32>,
      %get3A_259 = vector.shape_cast %get3A_258 : vector<1x16xf32> to vector<16xf32>
      %mul3A_260 = arith.constant 0.699999988 : f32
      %mul3A_261 = vector.broadcast %mul3A_260 : f32 to vector<16xf32>
      %mul3A_262 = arith.mulf %mul3A_261, %get3A_259 : vector<16xf32>
      %get3A_263 = arith.index_cast %scan3A_237 : i32 to index
      %get3A_264 = arith.constant 16 : index
      %get3A_265 = tpu.vector_load %arg9[%get3A_263, %get3A_264] {strides = array<i32>} : memref<80x128xf32, #tpu.memory_space<vmem>>, vector<1x16xf32>,
      %get3A_266 = vector.shape_cast %get3A_265 : vector<1x16xf32> to vector<16xf32>
      %mul3A_267 = arith.constant 3.000000e-01 : f32
      %mul3A_268 = vector.broadcast %mul3A_267 : f32 to vector<16xf32>
      %mul3A_269 = arith.mulf %mul3A_268, %get3A_266 : vector<16xf32>
      %add3A_270 = arith.addf %mul3A_262, %mul3A_269 : vector<16xf32>
      %swap3A_271 = arith.index_cast %scan3A_237 : i32 to index
      %swap3A_272 = arith.constant 16 : index
      %swap3A_273 = tpu.vector_load %arg7[%swap3A_271, %swap3A_272] {strides = array<i32>} : memref<80x128xf32, #tpu.memory_space<vmem>>, vector<1x16xf32>,
      %swap3A_274 = vector.shape_cast %swap3A_273 : vector<1x16xf32> to vector<16xf32>
      %swap3A_275 = vector.shape_cast %add3A_270 : vector<16xf32> to vector<1x16xf32>
      tpu.vector_store %arg7[%swap3A_271, %swap3A_272], %swap3A_275 {strides = array<i32>} : memref<80x128xf32, #tpu.memory_space<vmem>>, vector<1x16xf32>,
      %get3A_276 = arith.index_cast %scan3A_237 : i32 to index
      %get3A_277 = arith.constant 32 : index
      %get3A_278 = tpu.vector_load %arg7[%get3A_276, %get3A_277] {strides = array<i32>} : memref<80x128xf32, #tpu.memory_space<vmem>>, vector<1x16xf32>,
      %get3A_279 = vector.shape_cast %get3A_278 : vector<1x16xf32> to vector<16xf32>
      %mul3A_280 = arith.constant 0.699999988 : f32
      %mul3A_281 = vector.broadcast %mul3A_280 : f32 to vector<16xf32>
      %mul3A_282 = arith.mulf %mul3A_281, %get3A_279 : vector<16xf32>
      %get3A_283 = arith.index_cast %scan3A_237 : i32 to index
      %get3A_284 = arith.constant 32 : index
      %get3A_285 = tpu.vector_load %arg9[%get3A_283, %get3A_284] {strides = array<i32>} : memref<80x128xf32, #tpu.memory_space<vmem>>, vector<1x16xf32>,
      %get3A_286 = vector.shape_cast %get3A_285 : vector<1x16xf32> to vector<16xf32>
      %mul3A_287 = arith.constant 3.000000e-01 : f32
      %mul3A_288 = vector.broadcast %mul3A_287 : f32 to vector<16xf32>
      %mul3A_289 = arith.mulf %mul3A_288, %get3A_286 : vector<16xf32>
      %add3A_290 = arith.addf %mul3A_282, %mul3A_289 : vector<16xf32>
      %swap3A_291 = arith.index_cast %scan3A_237 : i32 to index
      %swap3A_292 = arith.constant 32 : index
      %swap3A_293 = tpu.vector_load %arg7[%swap3A_291, %swap3A_292] {strides = array<i32>} : memref<80x128xf32, #tpu.memory_space<vmem>>, vector<1x16xf32>,
      %swap3A_294 = vector.shape_cast %swap3A_293 : vector<1x16xf32> to vector<16xf32>
      %swap3A_295 = vector.shape_cast %add3A_290 : vector<16xf32> to vector<1x16xf32>
      tpu.vector_store %arg7[%swap3A_291, %swap3A_292], %swap3A_295 {strides = array<i32>} : memref<80x128xf32, #tpu.memory_space<vmem>>, vector<1x16xf32>,
      %get3A_296 = arith.index_cast %scan3A_237 : i32 to index
      %get3A_297 = arith.constant 48 : index
      %get3A_298 = tpu.vector_load %arg7[%get3A_296, %get3A_297] {strides = array<i32>} : memref<80x128xf32, #tpu.memory_space<vmem>>, vector<1x16xf32>,
      %get3A_299 = vector.shape_cast %get3A_298 : vector<1x16xf32> to vector<16xf32>
      %mul3A_300 = arith.constant 0.699999988 : f32
      %mul3A_301 = vector.broadcast %mul3A_300 : f32 to vector<16xf32>
      %mul3A_302 = arith.mulf %mul3A_301, %get3A_299 : vector<16xf32>
      %get3A_303 = arith.index_cast %scan3A_237 : i32 to index
      %get3A_304 = arith.constant 48 : index
      %get3A_305 = tpu.vector_load %arg9[%get3A_303, %get3A_304] {strides = array<i32>} : memref<80x128xf32, #tpu.memory_space<vmem>>, vector<1x16xf32>,
      %get3A_306 = vector.shape_cast %get3A_305 : vector<1x16xf32> to vector<16xf32>
      %mul3A_307 = arith.constant 3.000000e-01 : f32
      %mul3A_308 = vector.broadcast %mul3A_307 : f32 to vector<16xf32>
      %mul3A_309 = arith.mulf %mul3A_308, %get3A_306 : vector<16xf32>
      %add3A_310 = arith.addf %mul3A_302, %mul3A_309 : vector<16xf32>
      %swap3A_311 = arith.index_cast %scan3A_237 : i32 to index
      %swap3A_312 = arith.constant 48 : index
      %swap3A_313 = tpu.vector_load %arg7[%swap3A_311, %swap3A_312] {strides = array<i32>} : memref<80x128xf32, #tpu.memory_space<vmem>>, vector<1x16xf32>,
      %swap3A_314 = vector.shape_cast %swap3A_313 : vector<1x16xf32> to vector<16xf32>
      %swap3A_315 = vector.shape_cast %add3A_310 : vector<16xf32> to vector<1x16xf32>
      tpu.vector_store %arg7[%swap3A_311, %swap3A_312], %swap3A_315 {strides = array<i32>} : memref<80x128xf32, #tpu.memory_space<vmem>>, vector<1x16xf32>,
      %get3A_316 = arith.index_cast %scan3A_237 : i32 to index
      %get3A_317 = arith.constant 64 : index
      %get3A_318 = tpu.vector_load %arg7[%get3A_316, %get3A_317] {strides = array<i32>} : memref<80x128xf32, #tpu.memory_space<vmem>>, vector<1x16xf32>,
      %get3A_319 = vector.shape_cast %get3A_318 : vector<1x16xf32> to vector<16xf32>
      %mul3A_320 = arith.constant 0.699999988 : f32
      %mul3A_321 = vector.broadcast %mul3A_320 : f32 to vector<16xf32>
      %mul3A_322 = arith.mulf %mul3A_321, %get3A_319 : vector<16xf32>
      %get3A_323 = arith.index_cast %scan3A_237 : i32 to index
      %get3A_324 = arith.constant 64 : index
      %get3A_325 = tpu.vector_load %arg9[%get3A_323, %get3A_324] {strides = array<i32>} : memref<80x128xf32, #tpu.memory_space<vmem>>, vector<1x16xf32>,
      %get3A_326 = vector.shape_cast %get3A_325 : vector<1x16xf32> to vector<16xf32>
      %mul3A_327 = arith.constant 3.000000e-01 : f32
      %mul3A_328 = vector.broadcast %mul3A_327 : f32 to vector<16xf32>
      %mul3A_329 = arith.mulf %mul3A_328, %get3A_326 : vector<16xf32>
      %add3A_330 = arith.addf %mul3A_322, %mul3A_329 : vector<16xf32>
      %swap3A_331 = arith.index_cast %scan3A_237 : i32 to index
      %swap3A_332 = arith.constant 64 : index
      %swap3A_333 = tpu.vector_load %arg7[%swap3A_331, %swap3A_332] {strides = array<i32>} : memref<80x128xf32, #tpu.memory_space<vmem>>, vector<1x16xf32>,
      %swap3A_334 = vector.shape_cast %swap3A_333 : vector<1x16xf32> to vector<16xf32>
      %swap3A_335 = vector.shape_cast %add3A_330 : vector<16xf32> to vector<1x16xf32>
      tpu.vector_store %arg7[%swap3A_331, %swap3A_332], %swap3A_335 {strides = array<i32>} : memref<80x128xf32, #tpu.memory_space<vmem>>, vector<1x16xf32>,
      %get3A_336 = arith.index_cast %scan3A_237 : i32 to index
      %get3A_337 = arith.constant 80 : index
      %get3A_338 = tpu.vector_load %arg7[%get3A_336, %get3A_337] {strides = array<i32>} : memref<80x128xf32, #tpu.memory_space<vmem>>, vector<1x16xf32>,
      %get3A_339 = vector.shape_cast %get3A_338 : vector<1x16xf32> to vector<16xf32>
      %mul3A_340 = arith.constant 0.699999988 : f32
      %mul3A_341 = vector.broadcast %mul3A_340 : f32 to vector<16xf32>
      %mul3A_342 = arith.mulf %mul3A_341, %get3A_339 : vector<16xf32>
      %get3A_343 = arith.index_cast %scan3A_237 : i32 to index
      %get3A_344 = arith.constant 80 : index
      %get3A_345 = tpu.vector_load %arg9[%get3A_343, %get3A_344] {strides = array<i32>} : memref<80x128xf32, #tpu.memory_space<vmem>>, vector<1x16xf32>,
      %get3A_346 = vector.shape_cast %get3A_345 : vector<1x16xf32> to vector<16xf32>
      %mul3A_347 = arith.constant 3.000000e-01 : f32
      %mul3A_348 = vector.broadcast %mul3A_347 : f32 to vector<16xf32>
      %mul3A_349 = arith.mulf %mul3A_348, %get3A_346 : vector<16xf32>
      %add3A_350 = arith.addf %mul3A_342, %mul3A_349 : vector<16xf32>
      %swap3A_351 = arith.index_cast %scan3A_237 : i32 to index
      %swap3A_352 = arith.constant 80 : index
      %swap3A_353 = tpu.vector_load %arg7[%swap3A_351, %swap3A_352] {strides = array<i32>} : memref<80x128xf32, #tpu.memory_space<vmem>>, vector<1x16xf32>,
      %swap3A_354 = vector.shape_cast %swap3A_353 : vector<1x16xf32> to vector<16xf32>
      %swap3A_355 = vector.shape_cast %add3A_350 : vector<16xf32> to vector<1x16xf32>
      tpu.vector_store %arg7[%swap3A_351, %swap3A_352], %swap3A_355 {strides = array<i32>} : memref<80x128xf32, #tpu.memory_space<vmem>>, vector<1x16xf32>,
      %get3A_356 = arith.index_cast %scan3A_237 : i32 to index
      %get3A_357 = arith.constant 96 : index
      %get3A_358 = tpu.vector_load %arg7[%get3A_356, %get3A_357] {strides = array<i32>} : memref<80x128xf32, #tpu.memory_space<vmem>>, vector<1x16xf32>,
      %get3A_359 = vector.shape_cast %get3A_358 : vector<1x16xf32> to vector<16xf32>
      %mul3A_360 = arith.constant 0.699999988 : f32
      %mul3A_361 = vector.broadcast %mul3A_360 : f32 to vector<16xf32>
      %mul3A_362 = arith.mulf %mul3A_361, %get3A_359 : vector<16xf32>
      %get3A_363 = arith.index_cast %scan3A_237 : i32 to index
      %get3A_364 = arith.constant 96 : index
      %get3A_365 = tpu.vector_load %arg9[%get3A_363, %get3A_364] {strides = array<i32>} : memref<80x128xf32, #tpu.memory_space<vmem>>, vector<1x16xf32>,
      %get3A_366 = vector.shape_cast %get3A_365 : vector<1x16xf32> to vector<16xf32>
      %mul3A_367 = arith.constant 3.000000e-01 : f32
      %mul3A_368 = vector.broadcast %mul3A_367 : f32 to vector<16xf32>
      %mul3A_369 = arith.mulf %mul3A_368, %get3A_366 : vector<16xf32>
      %add3A_370 = arith.addf %mul3A_362, %mul3A_369 : vector<16xf32>
      %swap3A_371 = arith.index_cast %scan3A_237 : i32 to index
      %swap3A_372 = arith.constant 96 : index
      %swap3A_373 = tpu.vector_load %arg7[%swap3A_371, %swap3A_372] {strides = array<i32>} : memref<80x128xf32, #tpu.memory_space<vmem>>, vector<1x16xf32>,
      %swap3A_374 = vector.shape_cast %swap3A_373 : vector<1x16xf32> to vector<16xf32>
      %swap3A_375 = vector.shape_cast %add3A_370 : vector<16xf32> to vector<1x16xf32>
      tpu.vector_store %arg7[%swap3A_371, %swap3A_372], %swap3A_375 {strides = array<i32>} : memref<80x128xf32, #tpu.memory_space<vmem>>, vector<1x16xf32>,
      %get3A_376 = arith.index_cast %scan3A_237 : i32 to index
      %get3A_377 = arith.constant 112 : index
      %get3A_378 = tpu.vector_load %arg7[%get3A_376, %get3A_377] {strides = array<i32>} : memref<80x128xf32, #tpu.memory_space<vmem>>, vector<1x16xf32>,
      %get3A_379 = vector.shape_cast %get3A_378 : vector<1x16xf32> to vector<16xf32>
      %mul3A_380 = arith.constant 0.699999988 : f32
      %mul3A_381 = vector.broadcast %mul3A_380 : f32 to vector<16xf32>
      %mul3A_382 = arith.mulf %mul3A_381, %get3A_379 : vector<16xf32>
      %get3A_383 = arith.index_cast %scan3A_237 : i32 to index
      %get3A_384 = arith.constant 112 : index
      %get3A_385 = tpu.vector_load %arg9[%get3A_383, %get3A_384] {strides = array<i32>} : memref<80x128xf32, #tpu.memory_space<vmem>>, vector<1x16xf32>,
      %get3A_386 = vector.shape_cast %get3A_385 : vector<1x16xf32> to vector<16xf32>
      %mul3A_387 = arith.constant 3.000000e-01 : f32
      %mul3A_388 = vector.broadcast %mul3A_387 : f32 to vector<16xf32>
      %mul3A_389 = arith.mulf %mul3A_388, %get3A_386 : vector<16xf32>
      %add3A_390 = arith.addf %mul3A_382, %mul3A_389 : vector<16xf32>
      %swap3A_391 = arith.index_cast %scan3A_237 : i32 to index
      %swap3A_392 = arith.constant 112 : index
      %swap3A_393 = tpu.vector_load %arg7[%swap3A_391, %swap3A_392] {strides = array<i32>} : memref<80x128xf32, #tpu.memory_space<vmem>>, vector<1x16xf32>,
      %swap3A_394 = vector.shape_cast %swap3A_393 : vector<1x16xf32> to vector<16xf32>
      %swap3A_395 = vector.shape_cast %add3A_390 : vector<16xf32> to vector<1x16xf32>
      tpu.vector_store %arg7[%swap3A_391, %swap3A_392], %swap3A_395 {strides = array<i32>} : memref<80x128xf32, #tpu.memory_space<vmem>>, vector<1x16xf32>,
    }
    %scan3A_224 = arith.constant 80 : i32
    %dma_start3A_225 = arith.constant 0 : i32
    %dma_start3A_226 = tpu.memref_slice %arg4[%mul3A_49, %dma_start3A_225] : memref<10000x128xf32, #tpu.memory_space<hbm>> -> memref<80x128xf32, #tpu.memory_space<hbm>>
    %dma_start3A_227 = arith.constant 0 : i32
    %dma_start3A_228 = tpu.memref_slice %arg4[%mul3A_49, %dma_start3A_227] : memref<10000x128xf32, #tpu.memory_space<hbm>> -> memref<80x128xf32, #tpu.memory_space<hbm>>
    tpu.enqueue_dma source(%arg7 : memref<80x128xf32, #tpu.memory_space<vmem>>) target(%dma_start3A_228 : memref<80x128xf32, #tpu.memory_space<hbm>>) target_semaphore(%arg14 : memref<!tpu.dma_semaphore, #tpu.memory_space<semaphore_mem>>)
    %dma_wait3A_229 = arith.constant 0 : i32
    %dma_wait3A_230 = tpu.memref_slice %arg4[%mul3A_34, %dma_wait3A_229] : memref<10000x128xf32, #tpu.memory_space<hbm>> -> memref<80x128xf32, #tpu.memory_space<hbm>>
    %dma_wait3A_231 = arith.constant 0 : i32
    %dma_wait3A_232 = tpu.memref_slice %arg4[%mul3A_34, %dma_wait3A_231] : memref<10000x128xf32, #tpu.memory_space<hbm>> -> memref<80x128xf32, #tpu.memory_space<hbm>>
    tpu.wait_dma2 semaphore(%arg13 : memref<!tpu.dma_semaphore, #tpu.memory_space<semaphore_mem>>) src(%arg6 : memref<80x128xf32, #tpu.memory_space<vmem>>) dst(%dma_wait3A_232 : memref<80x128xf32, #tpu.memory_space<hbm>>)
    %dma_wait3A_233 = arith.constant 0 : i32
    %dma_wait3A_234 = tpu.memref_slice %arg4[%mul3A_49, %dma_wait3A_233] : memref<10000x128xf32, #tpu.memory_space<hbm>> -> memref<80x128xf32, #tpu.memory_space<hbm>>
    %dma_wait3A_235 = arith.constant 0 : i32
    %dma_wait3A_236 = tpu.memref_slice %arg4[%mul3A_49, %dma_wait3A_235] : memref<10000x128xf32, #tpu.memory_space<hbm>> -> memref<80x128xf32, #tpu.memory_space<hbm>>
    tpu.wait_dma2 semaphore(%arg14 : memref<!tpu.dma_semaphore, #tpu.memory_space<semaphore_mem>>) src(%arg7 : memref<80x128xf32, #tpu.memory_space<vmem>>) dst(%dma_wait3A_236 : memref<80x128xf32, #tpu.memory_space<hbm>>)
    return
  }
}

</mosaic_0001>

<sc_bundles>
// kernel: _mix.3.cloned.1.call-start
scs
__scs_entry_jumppad:
0x0: {  	(pc) =	sbr.rel $0x88, $3  }
0x1: {  	(tag) =	ssettag $0x0;
	lr =	simm.s32 $0x1  }
0x2: {  	[smem:$0x3F9F] =	sst lr;
	_ =	strace $0xD0000000  }
0x3: {  	_ = 	snop  }
0x4: {  	_ = 	snop  }
0x5: {  	_ = 	snop  }
0x6: {  	_ = 	snop  }
0x7: {  	_ = 	snop  }
__scs_overlays_trampoline_lowered:
0x8: {  	[smem:$0x3FAE] =	sst s0  }
0x9: {  	[smem:$0x3FAF] =	sst s1  }
0xa: {  	[smem:$0x3FB0] =	sst s2  }
0xb: {  	[smem:$0x3FB1] =	sst s3  }
0xc: {  	[smem:$0x3FB2] =	sst s4  }
0xd: {  	[smem:$0x3FB3] =	sst s5  }
0xe: {  	[smem:$0x3FB4] =	sst s6  }
0xf: {  	[smem:$0x3FB5] =	sst s7  }
0x10: {  	[smem:$0x3FB6] =	sst s8  }
0x11: {  	[smem:$0x3FB7] =	sst s9;
	s0 =	simm.s32 @!p0 $0x0  }
0x12: {  	s1 =	sld [smem:$0x3F9D];
	s0 =	simm.s32 @p0 $0x1  }
0x13: {  	[smem:$0x3FB8] =	sst s0;
	s0 =	simm.s32 @!p1 $0x0  }
0x14: {  	s2 =	sld [smem:$0x3F9C];
	s0 =	simm.s32 @p1 $0x1  }
0x15: {  	[smem:$0x3FB9] =	sst s0;
	s0 =	simm.s32 @!p2 $0x0  }
0x16: {  	s3 =	sld [smem:$0x3FDB];
	s0 =	simm.s32 @p2 $0x1  }
0x17: {  	s4 =	simm.s32 $0x1BF5;
	[smem:$0x3FBB] =	sst s0  }
0x18: {  	s0 =	sld [smem:$0x3F9E];
	_ =	swait.ge [sflag:s4], $0x0  }
0x19: {  	s7 =	sld [smem:$0x3F9F]  }
0x1a: {  	s8 =	sadd.s32 $0xFFFFE003, lr  }
0x1b: {  	s9 =	sadd.s32 $0xFFFFFEF7, lr;
	s5 =	simm.s32 $0xFFFFFFFF;
	p2 =	slt.u32 s8, $0xFFFFF086  }
0x1c: {  	p1 =	slt.u32 s9, $0xF7A;
	s5 =	simm.s32 @!p2 $0x0  }
0x1d: {  	s5 =	simm.s32 @p1 $0x1;
	p0 =	seq.s32 s7, s2  }
0x1e: {  	s7 =	smul.u32 @!p0 $0xF7A, s2;
	p2 =	seq.s32 @!p0 s5, $0x0  }
0x1f: {  	s9 =	smul.u32 $0xF7A, s1;
	s8 =	simm.s32 @!p0 $0x1BF5;
	p2 =	por !p2, p0  }
0x20: {  	[sflag:s8] =	ssyncset.s32 @!p0 $0xFFFFF086;
	s6 =	sadd.s32 @!p0 s3, s7;
	s7 =	simm.s32 @!p0 $0x108  }
0x21: {  	s3 =	sadd.s32 s3, s9;
	s6 =	sadd.s32 @!p0 $0x88, s6;
	s7 =	simm.s32 @p2 $0x1082  }
0x22: {  	[simem:s7], [sflag:s8] =	dma.local @!p0 [hbm:s6], $0xF7A  }
0x23: {  	s9 =	sor.u32 $0xD0000000, s2;
	s6 =	simm.s32 $0x108;
	_ =	swait.ge @!p0 [sflag:s8], $0x0  }
0x24: {  	s3 =	sadd.s32 $0x88, s3;
	s6 =	simm.s32 @!p1 $0x1082;
	[sflag:s4] =	ssyncset.s32 $0xFFFFF086  }
0x25: {  	[simem:s6], [sflag:s4] =	dma.local [hbm:s3], $0xF7A  }
0x26: {  	[smem:$0x3F9F] =	sst s1;
	(tag) =	ssettag s2;
	_ =	strace s9  }
0x27: {  	s1 =	sld [smem:$0x3FAF]  }
0x28: {  	s2 =	sld [smem:$0x3FB0]  }
0x29: {  	s4 =	sld [smem:$0x3FB2]  }
0x2a: {  	p0 =	seq.s32 s5, $0x0;
	s5 =	sld [smem:$0x3FB3]  }
0x2b: {  	s6 =	sld [smem:$0x3FB4]  }
0x2c: {  	s7 =	sld [smem:$0x3FB5]  }
0x2d: {  	s3 =	simm.s32 $0x108;
	s8 =	sld [smem:$0x3FB6]  }
0x2e: {  	s3 =	simm.s32 @!p0 $0x1082;
	s9 =	sld [smem:$0x3FB7]  }
0x2f: {  	lr =	sadd.s32 s0, s3;
	s0 =	sld [smem:$0x3FAE]  }
0x30: {  	s3 =	sld [smem:$0x3FB1]  }
0x31: {  	[smem:$0x3FBA] =	sst s10  }
0x32: {  	s10 =	sld [smem:$0x3FB8];
	_ =	sdelay $0x3  }
0x33: {  	p0 =	seq.s32 s10, $0x1;
	s10 =	sld [smem:$0x3FBA];
	_ =	sdelay $0x3  }
0x34: {  	[smem:$0x3FBA] =	sst s10  }
0x35: {  	s10 =	sld [smem:$0x3FB9];
	_ =	sdelay $0x3  }
0x36: {  	p1 =	seq.s32 s10, $0x1;
	s10 =	sld [smem:$0x3FBA];
	_ =	sdelay $0x3  }
0x37: {  	[smem:$0x3FBA] =	sst s10  }
0x38: {  	s10 =	sld [smem:$0x3FBB]  }
0x39: {  	_ = 	snop;
	(pc) =	sbr.ind lr, $3  }
0x3a: {  	_ = 	snop  }
0x3b: {  	_ = 	snop  }
0x3c: {  	p2 =	seq.s32 s10, $0x1;
	s10 =	sld [smem:$0x3FBA]  }
0x3d: {  	_ =	shalt  }
0x3e: {  	_ =	shalt  }
0x3f: {  	_ =	shalt  }
0x40: {  	_ =	shalt  }
0x41: {  	_ =	shalt  }
0x42: {  	_ =	shalt  }
0x43: {  	_ =	shalt  }
0x44: {  	_ =	shalt  }
0x45: {  	_ =	shalt  }
0x46: {  	_ =	shalt  }
0x47: {  	_ =	shalt  }
0x48: {  	_ =	shalt  }
0x49: {  	_ =	shalt  }
0x4a: {  	_ =	shalt  }
0x4b: {  	_ =	shalt  }
0x4c: {  	_ =	shalt  }
0x4d: {  	_ =	shalt  }
0x4e: {  	_ =	shalt  }
0x4f: {  	_ =	shalt  }
0x50: {  	_ =	shalt  }
0x51: {  	_ =	shalt  }
0x52: {  	_ =	shalt  }
0x53: {  	_ =	shalt  }
0x54: {  	_ =	shalt  }
0x55: {  	_ =	shalt  }
0x56: {  	_ =	shalt  }
0x57: {  	_ =	shalt  }
0x58: {  	_ =	shalt  }
0x59: {  	_ =	shalt  }
0x5a: {  	_ =	shalt  }
0x5b: {  	_ =	shalt  }
0x5c: {  	_ =	shalt  }
0x5d: {  	_ =	shalt  }
0x5e: {  	_ =	shalt  }
0x5f: {  	_ =	shalt  }
0x60: {  	_ =	shalt  }
0x61: {  	_ =	shalt  }
0x62: {  	_ =	shalt  }
0x63: {  	_ =	shalt  }
0x64: {  	_ =	shalt  }
0x65: {  	_ =	shalt  }
0x66: {  	_ =	shalt  }
0x67: {  	_ =	shalt  }
0x68: {  	_ =	shalt  }
0x69: {  	_ =	shalt  }
0x6a: {  	_ =	shalt  }
0x6b: {  	_ =	shalt  }
0x6c: {  	_ =	shalt  }
0x6d: {  	_ =	shalt  }
0x6e: {  	_ =	shalt  }
0x6f: {  	_ =	shalt  }
0x70: {  	_ =	shalt  }
0x71: {  	_ =	shalt  }
0x72: {  	_ =	shalt  }
0x73: {  	_ =	shalt  }
0x74: {  	_ =	shalt  }
0x75: {  	_ =	shalt  }
0x76: {  	_ =	shalt  }
0x77: {  	_ =	shalt  }
0x78: {  	_ =	shalt  }
0x79: {  	_ =	shalt  }
0x7a: {  	_ =	shalt  }
0x7b: {  	_ =	shalt  }
0x7c: {  	_ =	shalt  }
0x7d: {  	_ =	shalt  }
0x7e: {  	_ =	shalt  }
0x7f: {  	_ =	shalt  }
0x80: {  	_ =	shalt  }
0x81: {  	_ =	shalt  }
0x82: {  	_ =	shalt  }
0x83: {  	_ =	shalt  }
0x84: {  	_ =	shalt  }
0x85: {  	_ =	shalt  }
0x86: {  	_ =	shalt  }
0x87: {  	_ =	shalt  }
.Lfunc_end0:
.L_simem_size_0:
called_computation_lowered:
.L_overlay_start_0:
0x88: {  	s2 =	sld [smem:$0x3FD9]  }
0x89: {  	s3 =	sld [smem:$0x3FFE];
	_ =	sdelay $0x1  }
0x8a: {  	s1 =	srdreg.scid  }
0x8b: {  	s0 =	sand.u32 $0x1, s1  }
0x8c: {  	s18 =	sshll.u32 s0, $0xA;
	s2 =	sadd.s32 s3, s2  }
0x8d: {  	s2 =	sadd.s32 s2, s18  }
0x8e: {  	[smem:$0x3FC6] =	sst s2  }
0x8f: {  	_ = 	snop  }
0x90: {  	s2 =	sld [smem:$0x3FC9]  }
0x91: {  	s19 =	sld [smem:$0x3FC8]  }
0x92: {  	s4 =	sld [smem:$0x3FD0];
	(tm) =	ssettm $0x1  }
0x93: {  	s5 =	sld [smem:$0x3FFB];
	_ =	sdelay $0x3  }
0x94: {  	_ =	strace s5  }
0x95: {  	s5 =	sld [smem:$0x3FFC];
	_ =	sdelay $0x3  }
0x96: {  	_ =	strace s5  }
0x97: {  	s5 =	sld [smem:$0x3FFD];
	_ =	sdelay $0x3  }
0x98: {  	_ =	strace s5  }
0x99: {  	_ =	strace $0x8FFFFFFF  }
0x9a: {  	s20 =	sld [smem:$0x3FDB];
	_ =	sdelay $0x1  }
0x9b: {  	s6 =	simm.s32 $_scs_section_size  }
0x9c: {  	s7 =	simm.s32 $_size__tile_overlayer_lowered;
	s8 =	simm.s32 $_tile_overlayer_lowered  }
0x9d: {  	s23 =	simm.s32 $0x1BFF;
	s22 =	sshll.u32 s8, $0x1;
	s5 =	sadd.s32 s6, s20  }
0x9e: {  	s9 =	simm.s32 $0x0;
	s21 =	sshll.u32 s7, $0x1;
	s7 =	sadd.s32 s22, s5  }
0x9f: {  	[timem:s9], [sflag:s23] =	dma.local [hbm:s7], s21  }
0xa0: {  	_ =	swait.ge [sflag:s23], s21  }
0xa1: {  	s6 =	ssub.s32 $0x0, s21;
	[sflag:s23] =	ssyncset.done $0x0  }
0xa2: {  	[sflag:s23] =	ssyncadd.s32 s6;
	_ =	sdelay $0x1  }
0xa3: {  	s24 =	simm.s32 $0x1B8B  }
0xa4: {  	_ =	swait.ge [sflag:s24], $0x1  }
0xa5: {  	[sflag:s24] =	ssyncset.done $0x0  }
0xa6: {  	s25 =	simm.s32 $0x1B8E;
	[sflag:s24] =	ssyncadd.s32 $0xFFFFFFFF  }
0xa7: {  	s26 =	simm.s32 $execute0_lowered;
	[smem:$0x3FD2] =	sst s25  }
0xa8: {  	s6 =	sshll.u32 s26, $0x1;
	_ =	strace $0x80000046;
	[dreg:$0x1] =	wrdreg $0xFFFFFFFF  }
0xa9: {  	s28 =	simm.s32 $_size_execute0_lowered;
	s5 =	sadd.s32 s5, s6;
	[dreg:$0x0] =	wrdreg $0x0  }
0xaa: {  	s6 =	sshll.u32 s28, $0x1;
	[dreg:$0x2] =	wrdreg s5  }
0xab: {  	[dreg:$0x3] =	wrdreg s6  }
0xac: {  	[dreg:$0x4] =	wrdreg $0xC0  }
0xad: {  	_ =	task [dreg:s9], $0x5FFFF  }
0xae: {  	[dreg:$0x1] =	wrdreg $0xFFFFFFFF  }
0xaf: {  	[dreg:$0x0] =	wrdreg $0x60  }
0xb0: {  	[dreg:$0x2] =	wrdreg s2  }
0xb1: {  	[dreg:$0x3] =	wrdreg s19  }
0xb2: {  	[dreg:$0x4] =	wrdreg s4  }
0xb3: {  	[dreg:$0x5] =	wrdreg $0x9  }
0xb4: {  	_ =	task.clear_ibuf [dreg:s9], $0x6FFFF;
	_ =	strace $0x90000046  }
0xb5: {  	s29 =	simm.s32 $0x9;
	_ =	strace $0x80000048  }
0xb6: {  	_ =	swait.ge [sflag:s29], $0x1  }
0xb7: {  	[sflag:s29] =	ssyncadd.s32 $0xFFFFFFFF  }
0xb8: {  	_ =	strace $0x90000048  }
0xb9: {  	_ =	sfence  }
0xba: {  	s30 =	sld [smem:$0x0];
	_ =	sdelay $0x2  }
0xbb: {  	s31 =	sshll.u32 s1, $0xD;
	s1 =	sshrl.u32 s1, $0x2  }
0xbc: {  	s3 =	sand.u32 $0x4000, s31;
	s1 =	sadd.s32 s1, s30  }
0xbd: {  	s0 =	sor.u32 s3, s0;
	s1 =	sshll.u32 s1, $0x11  }
0xbe: {  	s0 =	sor.u32 s1, s0  }
0xbf: {  	s0 =	sadd.s32 $0x8F2B, s0  }
0xc0: {  	[sflag:s0] =	ssyncadd.remote.s32 $0x1  }
0xc1: {  	_ =	sfence.sel $0xFFFF  }
0xc2: {  	[dreg:$0x0] =	wrdreg $0xFFFFFFFF;
	(pc) =	sbr.abs _section_cstart, $3  }
0xc3: {  	[dreg:$0x1] =	wrdreg $0xFFFFFFFF  }
0xc4: {  	_ =	task.clear_ibuf [dreg:s9], $0x2FFFF;
	_ =	strace $0x9FFFFFFF  }
0xc5: {  	(tm) =	ssettm $0x7FFFFFFF  }
tec
execute0_lowered:
.L_overlay_start_1:
0x0: {  	(tag) =	ssettag $0x1  }
0x1: {  	s1 =	rddreg [dreg:$0x0]  }
0x2: {  	s0 =	rddreg [dreg:$0x1];
	s2 =	srdreg.scid  }
0x3: {  	s3 =	stileid.u32;
	s15 =	rddreg [dreg:$0x2];
	s17 =	simm.s32 $0x80  }
0x4: {  	s18 =	simm.s32 $0x100;
	s19 =	simm.s32 $0x180;
	s20 =	simm.s32 $0x1  }
0x5: {  	s21 =	simm.s32 $0x50;
	s22 =	simm.s32 $0x5200;
	s23 =	simm.s32 $0x200  }
0x6: {  	s28 =	simm.s32 $0x4;
	s2 =	sand.u32 $0x1, s2;
	s3 =	sshll.u32 s3, $0x1  }
0x7: {  	s29 =	simm.s32 $0x3;
	s30 =	simm.s32 $0x5;
	s4 =	sor.u32 s2, s3  }
0x8: {  	s31 =	simm.s32 $0x0;
	s3 =	simm.s32 $0x0;
	s5 =	smul.u32 $0xA, s4  }
0x9: {  	s2 =	ssub.s32 $0x2, s2;
	s6 =	sor.u32 $0x20, s4;
	s13 =	smul.u32 $0x500, s4  }
0xa: {  	s8 =	sor.u32 $0x40, s4;
	s9 =	smin.u32 s4, $0x1C;
	s7 =	smul.u32 $0xA, s6  }
0xb: {  	[smem:$0x7FF] =	sst s3;
	s24 =	sshrl.u32 s2, $0x1;
	s10 =	smul.u32 $0xA, s8  }
0xc: {  	s11 =	sor.u32 $0x60, s9;
	_ =	strace $0x80000047;
	s14 =	smul.u32 $0x500, s6  }
0xd: {  	s2 =	ssub.s32 s2, s24;
	s26 =	smul.u32 $0x500, s8;
	s24 =	simm.s32 $0x7A00  }
0xe: {  	s12 =	smul.u32 $0xA, s11;
	s25 =	sadd.s32 s0, s5;
	s8 =	sadd.s32 s1, s13  }
0xf: {  	s16 =	smul.u32 $0x500, s11;
	[dreg:$0x4] =	wrdreg s25;
	s5 =	sadd.s32 s0, s7  }
0x10: {  	s6 =	sadd.s32 s0, s10;
	s9 =	sadd.s32 s1, s14;
	s10 =	sadd.s32 s15, s13  }
0x11: {  	s11 =	sadd.s32 s1, s26;
	s25 =	simm.s32 $0x2A00;
	s7 =	sadd.s32 s0, s12  }
0x12: {  	s12 =	sadd.s32 s15, s14;
	s13 =	sadd.s32 s1, s16;
	s14 =	sadd.s32 s15, s26  }
0x13: {  	s15 =	sadd.s32 s15, s16;
	s16 =	smax.u32 s2, $0x1;
	s26 =	simm.s32 $0x2  }
.LBB2_1:
0x14: {  	s0 =	rddreg [dreg:$0x4]  }
0x15: {  	[tilespmem:s3], [sflag:$0x1] =	stream.linear.gather [hbm4b:s0+s3], $0x50, $0x38;
	[tilespmem:$0xA200] =	vst v63  }
0x16: {  	_ = 	snop  }
0x17: {  	[tilespmem:s17], [sflag:$0x1] =	stream.linear.gather [hbm4b:s5+s3], $0x50, $0x38;
	[tilespmem:$0xA200] =	vst v63  }
0x18: {  	_ = 	snop  }
0x19: {  	[tilespmem:s18], [sflag:$0x1] =	stream.linear.gather [hbm4b:s6+s3], $0x50, $0x38;
	[tilespmem:$0xA200] =	vst v63  }
0x1a: {  	_ = 	snop  }
0x1b: {  	[tilespmem:s19], [sflag:$0x1] =	stream.linear.gather [hbm4b:s7+s3], $0x50, $0x38;
	[tilespmem:$0xA200] =	vst v63  }
0x1c: {  	_ =	swait.ge [sflag:s20], $0x50  }
0x1d: {  	[sflag:s20] =	ssyncset.done $0x0  }
0x1e: {  	[sflag:s20] =	ssyncadd.s32 $0xFFFFFFB0  }
0x1f: {  	[tilespmem:s22], [sflag:$0x2] =	stream.indirect.gather [hbm4b:s1+s21], $0x80, s3, s21, $0xb8;
	[tilespmem:$0xA200] =	vst v63  }
0x20: {  	_ = 	snop  }
0x21: {  	[tilespmem:s23], [sflag:$0x2] =	stream.linear.gather [hbm4b:s8+s3], $0x2800, $0x38;
	[tilespmem:$0xA200] =	vst v63  }
0x22: {  	_ =	swait.ge [sflag:s20], $0x50  }
0x23: {  	[sflag:s20] =	ssyncset.done $0x0  }
0x24: {  	[sflag:s20] =	ssyncadd.s32 $0xFFFFFFB0  }
0x25: {  	[tilespmem:s24], [sflag:$0x3] =	stream.indirect.gather [hbm4b:s1+s21], $0x80, s17, s21, $0xb8;
	[tilespmem:$0xA200] =	vst v63  }
0x26: {  	_ = 	snop  }
0x27: {  	[tilespmem:s25], [sflag:$0x3] =	stream.linear.gather [hbm4b:s9+s3], $0x2800, $0x38;
	[tilespmem:$0xA200] =	vst v63  }
0x28: {  	_ =	swait.ge [sflag:s26], $0x2800  }
0x29: {  	[sflag:s26] =	ssyncset.done $0x0  }
0x2a: {  	[sflag:s26] =	ssyncadd.s32 $0xFFFFD800  }
0x2b: {  	_ =	swait.ge [sflag:s26], $0x2800  }
0x2c: {  	[sflag:s26] =	ssyncset.done $0x0  }
0x2d: {  	s2 =	simm.s32 $0x0;
	[sflag:s26] =	ssyncadd.s32 $0xFFFFD800  }
0x2e: {  	v5 =	vld [tilespmem:s2+$0x5200]  }
0x2f: {  	v6 =	vld [tilespmem:s2+$0x5210]  }
0x30: {  	v9 =	vld [tilespmem:s2+$0x5220]  }
0x31: {  	v4 =	vld [tilespmem:s2+$0x5230]  }
0x32: {  	v3 =	vld [tilespmem:s2+$0x5240]  }
0x33: {  	v2 =	vld [tilespmem:s2+$0x5250]  }
0x34: {  	v1 =	vld [tilespmem:s2+$0x5260]  }
0x35: {  	v0 =	vld [tilespmem:s2+$0x5270]  }
0x36: {  	v13 =	vld [tilespmem:s2+$0x200]  }
0x37: {  	v15 =	vld [tilespmem:s2+$0x210]  }
0x38: {  	v10 =	vld [tilespmem:s2+$0x220]  }
0x39: {  	v8 =	vld [tilespmem:s2+$0x230]  }
0x3a: {  	v7 =	vld [tilespmem:s2+$0x240];
	v12 =	vmul.f32 $3.000000120e-01, v5  }
0x3b: {  	s0 =	simm.s32 $0x200;
	v11 =	vmul.f32 $3.000000120e-01, v6;
	v6 =	vld [tilespmem:s2+$0x250];
	v14 =	vmul.f32 $6.999999880e-01, v13  }
0x3c: {  	v9 =	vmul.f32 $3.000000120e-01, v9;
	v13 =	vmul.f32 $6.999999880e-01, v15;
	v5 =	vld [tilespmem:s2+$0x260]  }
.LBB2_2:
0x3d: {  	s4 =	sshra.s32 s0, $0x2;
	p0 =	sne.s32 s0, $0x9E00;
	v12 =	vadd.f32 v12, v14;
	v10 =	vmul.f32 $6.999999880e-01, v10;
	v14 =	vld [tilespmem:s2+$0x270]  }
0x3e: {  	v4 =	vmul.f32 $3.000000120e-01, v4;
	v15 =	vld [tilespmem:s4+$0x5200];
	v11 =	vadd.f32 v11, v13;
	v8 =	vmul.f32 $6.999999880e-01, v8  }
0x3f: {  	v3 =	vmul.f32 $3.000000120e-01, v3;
	v13 =	vld [tilespmem:s4+$0x5210];
	[tilespmem:s2+$0x200] =	vst v12;
	v9 =	vadd.f32 v9, v10;
	v7 =	vmul.f32 $6.999999880e-01, v7  }
0x40: {  	v2 =	vmul.f32 $3.000000120e-01, v2;
	v16 =	vld [tilespmem:s4+$0x5220];
	[tilespmem:s2+$0x210] =	vst v11;
	v8 =	vadd.f32 v4, v8;
	v6 =	vmul.f32 $6.999999880e-01, v6  }
0x41: {  	v1 =	vmul.f32 $3.000000120e-01, v1;
	v4 =	vld [tilespmem:s4+$0x5230];
	[tilespmem:s2+$0x220] =	vst v9;
	v7 =	vadd.f32 v3, v7;
	v5 =	vmul.f32 $6.999999880e-01, v5  }
0x42: {  	v0 =	vmul.f32 $3.000000120e-01, v0;
	v3 =	vld [tilespmem:s4+$0x5240];
	[tilespmem:s2+$0x230] =	vst v8;
	v6 =	vadd.f32 v2, v6;
	v8 =	vmul.f32 $6.999999880e-01, v14  }
0x43: {  	v2 =	vld [tilespmem:s4+$0x5250];
	[tilespmem:s2+$0x240] =	vst v7;
	v5 =	vadd.f32 v1, v5  }
0x44: {  	v1 =	vld [tilespmem:s4+$0x5260];
	[tilespmem:s2+$0x250] =	vst v6;
	v6 =	vadd.f32 v0, v8  }
0x45: {  	v0 =	vld [tilespmem:s4+$0x5270];
	[tilespmem:s2+$0x260] =	vst v5  }
0x46: {  	v5 =	vld [tilespmem:s4+$0x200];
	[tilespmem:s2+$0x270] =	vst v6;
	s2 =	smov.u32 s4  }
0x47: {  	v17 =	vld [tilespmem:s2+$0x210]  }
.Ltmp0:
0x48: {  	v10 =	vld [tilespmem:s2+$0x220];
	(pc) =	sbr.rel @p0 .LBB2_2-.Ltmp0, $4  }
0x49: {  	v8 =	vld [tilespmem:s2+$0x230]  }
0x4a: {  	v12 =	vmul.f32 $3.000000120e-01, v15;
	v11 =	vmul.f32 $3.000000120e-01, v13;
	v7 =	vld [tilespmem:s2+$0x240]  }
0x4b: {  	v9 =	vmul.f32 $3.000000120e-01, v16;
	v14 =	vmul.f32 $6.999999880e-01, v5;
	v6 =	vld [tilespmem:s2+$0x250]  }
0x4c: {  	s0 =	sadd.s32 $0x200, s0;
	v13 =	vmul.f32 $6.999999880e-01, v17;
	v5 =	vld [tilespmem:s2+$0x260]  }
0x4d: {  	v12 =	vadd.f32 v12, v14;
	v10 =	vmul.f32 $6.999999880e-01, v10;
	v14 =	vld [tilespmem:s2+$0x270]  }
0x4e: {  	v4 =	vmul.f32 $3.000000120e-01, v4;
	v11 =	vadd.f32 v11, v13;
	v8 =	vmul.f32 $6.999999880e-01, v8  }
0x4f: {  	v3 =	vmul.f32 $3.000000120e-01, v3;
	[tilespmem:s2+$0x200] =	vst v12;
	v9 =	vadd.f32 v9, v10;
	v7 =	vmul.f32 $6.999999880e-01, v7  }
0x50: {  	v2 =	vmul.f32 $3.000000120e-01, v2;
	[tilespmem:s2+$0x210] =	vst v11;
	v4 =	vadd.f32 v4, v8;
	v6 =	vmul.f32 $6.999999880e-01, v6  }
0x51: {  	v1 =	vmul.f32 $3.000000120e-01, v1;
	[tilespmem:s2+$0x220] =	vst v9;
	v3 =	vadd.f32 v3, v7;
	v5 =	vmul.f32 $6.999999880e-01, v5  }
0x52: {  	v0 =	vmul.f32 $3.000000120e-01, v0;
	[tilespmem:s2+$0x230] =	vst v4;
	v2 =	vadd.f32 v2, v6;
	v4 =	vmul.f32 $6.999999880e-01, v14  }
0x53: {  	[tilespmem:s2+$0x240] =	vst v3;
	v1 =	vadd.f32 v1, v5  }
0x54: {  	[tilespmem:s2+$0x250] =	vst v2;
	v0 =	vadd.f32 v0, v4  }
0x55: {  	[tilespmem:s2+$0x260] =	vst v1  }
0x56: {  	s0 =	simm.s32 $0x0;
	[tilespmem:s2+$0x270] =	vst v0  }
0x57: {  	[hbm4b:s10+s0] =	stream.linear.scatter [tilespmem:s23], [sflag:$0x4], $0x2800, $0x38;
	[tilespmem:$0xA200] =	vst v63  }
0x58: {  	_ =	swait.ge [sflag:s28], $0x2800  }
0x59: {  	[sflag:s28] =	ssyncset.done $0x0  }
0x5a: {  	[sflag:s28] =	ssyncadd.s32 $0xFFFFD800  }
0x5b: {  	_ =	swait.ge [sflag:s20], $0x50  }
0x5c: {  	[sflag:s20] =	ssyncset.done $0x0  }
0x5d: {  	[sflag:s20] =	ssyncadd.s32 $0xFFFFFFB0  }
0x5e: {  	[tilespmem:s22], [sflag:$0x2] =	stream.indirect.gather [hbm4b:s1+s21], $0x80, s18, s21, $0xb8;
	[tilespmem:$0xA200] =	vst v63  }
0x5f: {  	_ = 	snop  }
0x60: {  	[tilespmem:s23], [sflag:$0x2] =	stream.linear.gather [hbm4b:s11+s0], $0x2800, $0x38;
	[tilespmem:$0xA200] =	vst v63  }
0x61: {  	_ =	swait.ge [sflag:s29], $0x2800  }
0x62: {  	[sflag:s29] =	ssyncset.done $0x0  }
0x63: {  	[sflag:s29] =	ssyncadd.s32 $0xFFFFD800  }
0x64: {  	_ =	swait.ge [sflag:s29], $0x2800  }
0x65: {  	[sflag:s29] =	ssyncset.done $0x0  }
0x66: {  	s2 =	simm.s32 $0x0;
	[sflag:s29] =	ssyncadd.s32 $0xFFFFD800  }
0x67: {  	v5 =	vld [tilespmem:s2+$0x7A00]  }
0x68: {  	v6 =	vld [tilespmem:s2+$0x7A10]  }
0x69: {  	v9 =	vld [tilespmem:s2+$0x7A20]  }
0x6a: {  	v4 =	vld [tilespmem:s2+$0x7A30]  }
0x6b: {  	v3 =	vld [tilespmem:s2+$0x7A40]  }
0x6c: {  	v2 =	vld [tilespmem:s2+$0x7A50]  }
0x6d: {  	v1 =	vld [tilespmem:s2+$0x7A60]  }
0x6e: {  	v0 =	vld [tilespmem:s2+$0x7A70]  }
0x6f: {  	v13 =	vld [tilespmem:s2+$0x2A00]  }
0x70: {  	v15 =	vld [tilespmem:s2+$0x2A10]  }
0x71: {  	v10 =	vld [tilespmem:s2+$0x2A20]  }
0x72: {  	v8 =	vld [tilespmem:s2+$0x2A30]  }
0x73: {  	v7 =	vld [tilespmem:s2+$0x2A40];
	v12 =	vmul.f32 $3.000000120e-01, v5  }
0x74: {  	s0 =	simm.s32 $0x200;
	v11 =	vmul.f32 $3.000000120e-01, v6;
	v6 =	vld [tilespmem:s2+$0x2A50];
	v14 =	vmul.f32 $6.999999880e-01, v13  }
0x75: {  	v9 =	vmul.f32 $3.000000120e-01, v9;
	v13 =	vmul.f32 $6.999999880e-01, v15;
	v5 =	vld [tilespmem:s2+$0x2A60]  }
.LBB2_4:
0x76: {  	s4 =	sshra.s32 s0, $0x2;
	p0 =	sne.s32 s0, $0x9E00;
	v12 =	vadd.f32 v12, v14;
	v10 =	vmul.f32 $6.999999880e-01, v10;
	v14 =	vld [tilespmem:s2+$0x2A70]  }
0x77: {  	v4 =	vmul.f32 $3.000000120e-01, v4;
	v15 =	vld [tilespmem:s4+$0x7A00];
	v11 =	vadd.f32 v11, v13;
	v8 =	vmul.f32 $6.999999880e-01, v8  }
0x78: {  	v3 =	vmul.f32 $3.000000120e-01, v3;
	v13 =	vld [tilespmem:s4+$0x7A10];
	[tilespmem:s2+$0x2A00] =	vst v12;
	v9 =	vadd.f32 v9, v10;
	v7 =	vmul.f32 $6.999999880e-01, v7  }
0x79: {  	v2 =	vmul.f32 $3.000000120e-01, v2;
	v16 =	vld [tilespmem:s4+$0x7A20];
	[tilespmem:s2+$0x2A10] =	vst v11;
	v8 =	vadd.f32 v4, v8;
	v6 =	vmul.f32 $6.999999880e-01, v6  }
0x7a: {  	v1 =	vmul.f32 $3.000000120e-01, v1;
	v4 =	vld [tilespmem:s4+$0x7A30];
	[tilespmem:s2+$0x2A20] =	vst v9;
	v7 =	vadd.f32 v3, v7;
	v5 =	vmul.f32 $6.999999880e-01, v5  }
0x7b: {  	v0 =	vmul.f32 $3.000000120e-01, v0;
	v3 =	vld [tilespmem:s4+$0x7A40];
	[tilespmem:s2+$0x2A30] =	vst v8;
	v6 =	vadd.f32 v2, v6;
	v8 =	vmul.f32 $6.999999880e-01, v14  }
0x7c: {  	v2 =	vld [tilespmem:s4+$0x7A50];
	[tilespmem:s2+$0x2A40] =	vst v7;
	v5 =	vadd.f32 v1, v5  }
0x7d: {  	v1 =	vld [tilespmem:s4+$0x7A60];
	[tilespmem:s2+$0x2A50] =	vst v6;
	v6 =	vadd.f32 v0, v8  }
0x7e: {  	v0 =	vld [tilespmem:s4+$0x7A70];
	[tilespmem:s2+$0x2A60] =	vst v5  }
0x7f: {  	v5 =	vld [tilespmem:s4+$0x2A00];
	[tilespmem:s2+$0x2A70] =	vst v6;
	s2 =	smov.u32 s4  }
0x80: {  	v17 =	vld [tilespmem:s2+$0x2A10]  }
.Ltmp1:
0x81: {  	v10 =	vld [tilespmem:s2+$0x2A20];
	(pc) =	sbr.rel @p0 .LBB2_4-.Ltmp1, $4  }
0x82: {  	v8 =	vld [tilespmem:s2+$0x2A30]  }
0x83: {  	v12 =	vmul.f32 $3.000000120e-01, v15;
	v11 =	vmul.f32 $3.000000120e-01, v13;
	v7 =	vld [tilespmem:s2+$0x2A40]  }
0x84: {  	v9 =	vmul.f32 $3.000000120e-01, v16;
	v14 =	vmul.f32 $6.999999880e-01, v5;
	v6 =	vld [tilespmem:s2+$0x2A50]  }
0x85: {  	s0 =	sadd.s32 $0x200, s0;
	v13 =	vmul.f32 $6.999999880e-01, v17;
	v5 =	vld [tilespmem:s2+$0x2A60]  }
0x86: {  	v12 =	vadd.f32 v12, v14;
	v10 =	vmul.f32 $6.999999880e-01, v10;
	v14 =	vld [tilespmem:s2+$0x2A70]  }
0x87: {  	v4 =	vmul.f32 $3.000000120e-01, v4;
	v11 =	vadd.f32 v11, v13;
	v8 =	vmul.f32 $6.999999880e-01, v8  }
0x88: {  	v3 =	vmul.f32 $3.000000120e-01, v3;
	[tilespmem:s2+$0x2A00] =	vst v12;
	v9 =	vadd.f32 v9, v10;
	v7 =	vmul.f32 $6.999999880e-01, v7  }
0x89: {  	v2 =	vmul.f32 $3.000000120e-01, v2;
	[tilespmem:s2+$0x2A10] =	vst v11;
	v4 =	vadd.f32 v4, v8;
	v6 =	vmul.f32 $6.999999880e-01, v6  }
0x8a: {  	v1 =	vmul.f32 $3.000000120e-01, v1;
	[tilespmem:s2+$0x2A20] =	vst v9;
	v3 =	vadd.f32 v3, v7;
	v5 =	vmul.f32 $6.999999880e-01, v5  }
0x8b: {  	v0 =	vmul.f32 $3.000000120e-01, v0;
	[tilespmem:s2+$0x2A30] =	vst v4;
	v2 =	vadd.f32 v2, v6;
	v4 =	vmul.f32 $6.999999880e-01, v14  }
0x8c: {  	[tilespmem:s2+$0x2A40] =	vst v3;
	v1 =	vadd.f32 v1, v5  }
0x8d: {  	[tilespmem:s2+$0x2A50] =	vst v2;
	v0 =	vadd.f32 v0, v4  }
0x8e: {  	[tilespmem:s2+$0x2A60] =	vst v1  }
0x8f: {  	s0 =	simm.s32 $0x0;
	[tilespmem:s2+$0x2A70] =	vst v0  }
0x90: {  	[hbm4b:s12+s0] =	stream.linear.scatter [tilespmem:s25], [sflag:$0x5], $0x2800, $0x38;
	[tilespmem:$0xA200] =	vst v63  }
0x91: {  	_ =	swait.ge [sflag:s30], $0x2800  }
0x92: {  	[sflag:s30] =	ssyncset.done $0x0  }
0x93: {  	[sflag:s30] =	ssyncadd.s32 $0xFFFFD800  }
0x94: {  	_ =	swait.ge [sflag:s20], $0x50  }
0x95: {  	[sflag:s20] =	ssyncset.done $0x0  }
0x96: {  	[sflag:s20] =	ssyncadd.s32 $0xFFFFFFB0  }
0x97: {  	[tilespmem:s24], [sflag:$0x3] =	stream.indirect.gather [hbm4b:s1+s21], $0x80, s19, s21, $0xb8;
	[tilespmem:$0xA200] =	vst v63  }
0x98: {  	_ = 	snop  }
0x99: {  	[tilespmem:s25], [sflag:$0x3] =	stream.linear.gather [hbm4b:s13+s0], $0x2800, $0x38;
	[tilespmem:$0xA200] =	vst v63  }
0x9a: {  	_ =	swait.ge [sflag:s26], $0x2800  }
0x9b: {  	[sflag:s26] =	ssyncset.done $0x0  }
0x9c: {  	[sflag:s26] =	ssyncadd.s32 $0xFFFFD800  }
0x9d: {  	_ =	swait.ge [sflag:s26], $0x2800  }
0x9e: {  	[sflag:s26] =	ssyncset.done $0x0  }
0x9f: {  	s2 =	simm.s32 $0x0;
	[sflag:s26] =	ssyncadd.s32 $0xFFFFD800  }
0xa0: {  	v5 =	vld [tilespmem:s2+$0x5200]  }
0xa1: {  	v6 =	vld [tilespmem:s2+$0x5210]  }
0xa2: {  	v9 =	vld [tilespmem:s2+$0x5220]  }
0xa3: {  	v4 =	vld [tilespmem:s2+$0x5230]  }
0xa4: {  	v3 =	vld [tilespmem:s2+$0x5240]  }
0xa5: {  	v2 =	vld [tilespmem:s2+$0x5250]  }
0xa6: {  	v1 =	vld [tilespmem:s2+$0x5260]  }
0xa7: {  	v0 =	vld [tilespmem:s2+$0x5270]  }
0xa8: {  	v13 =	vld [tilespmem:s2+$0x200]  }
0xa9: {  	v15 =	vld [tilespmem:s2+$0x210]  }
0xaa: {  	v10 =	vld [tilespmem:s2+$0x220]  }
0xab: {  	v8 =	vld [tilespmem:s2+$0x230]  }
0xac: {  	v7 =	vld [tilespmem:s2+$0x240];
	v12 =	vmul.f32 $3.000000120e-01, v5  }
0xad: {  	s0 =	simm.s32 $0x200;
	v11 =	vmul.f32 $3.000000120e-01, v6;
	v6 =	vld [tilespmem:s2+$0x250];
	v14 =	vmul.f32 $6.999999880e-01, v13  }
0xae: {  	v9 =	vmul.f32 $3.000000120e-01, v9;
	v13 =	vmul.f32 $6.999999880e-01, v15;
	v5 =	vld [tilespmem:s2+$0x260]  }
.LBB2_6:
0xaf: {  	s4 =	sshra.s32 s0, $0x2;
	p0 =	sne.s32 s0, $0x9E00;
	v12 =	vadd.f32 v12, v14;
	v10 =	vmul.f32 $6.999999880e-01, v10;
	v14 =	vld [tilespmem:s2+$0x270]  }
0xb0: {  	v4 =	vmul.f32 $3.000000120e-01, v4;
	v15 =	vld [tilespmem:s4+$0x5200];
	v11 =	vadd.f32 v11, v13;
	v8 =	vmul.f32 $6.999999880e-01, v8  }
0xb1: {  	v3 =	vmul.f32 $3.000000120e-01, v3;
	v13 =	vld [tilespmem:s4+$0x5210];
	[tilespmem:s2+$0x200] =	vst v12;
	v9 =	vadd.f32 v9, v10;
	v7 =	vmul.f32 $6.999999880e-01, v7  }
0xb2: {  	v2 =	vmul.f32 $3.000000120e-01, v2;
	v16 =	vld [tilespmem:s4+$0x5220];
	[tilespmem:s2+$0x210] =	vst v11;
	v8 =	vadd.f32 v4, v8;
	v6 =	vmul.f32 $6.999999880e-01, v6  }
0xb3: {  	v1 =	vmul.f32 $3.000000120e-01, v1;
	v4 =	vld [tilespmem:s4+$0x5230];
	[tilespmem:s2+$0x220] =	vst v9;
	v7 =	vadd.f32 v3, v7;
	v5 =	vmul.f32 $6.999999880e-01, v5  }
0xb4: {  	v0 =	vmul.f32 $3.000000120e-01, v0;
	v3 =	vld [tilespmem:s4+$0x5240];
	[tilespmem:s2+$0x230] =	vst v8;
	v6 =	vadd.f32 v2, v6;
	v8 =	vmul.f32 $6.999999880e-01, v14  }
0xb5: {  	v2 =	vld [tilespmem:s4+$0x5250];
	[tilespmem:s2+$0x240] =	vst v7;
	v5 =	vadd.f32 v1, v5  }
0xb6: {  	v1 =	vld [tilespmem:s4+$0x5260];
	[tilespmem:s2+$0x250] =	vst v6;
	v6 =	vadd.f32 v0, v8  }
0xb7: {  	v0 =	vld [tilespmem:s4+$0x5270];
	[tilespmem:s2+$0x260] =	vst v5  }
0xb8: {  	v5 =	vld [tilespmem:s4+$0x200];
	[tilespmem:s2+$0x270] =	vst v6;
	s2 =	smov.u32 s4  }
0xb9: {  	v17 =	vld [tilespmem:s2+$0x210]  }
.Ltmp2:
0xba: {  	v10 =	vld [tilespmem:s2+$0x220];
	(pc) =	sbr.rel @p0 .LBB2_6-.Ltmp2, $4  }
0xbb: {  	v8 =	vld [tilespmem:s2+$0x230]  }
0xbc: {  	v12 =	vmul.f32 $3.000000120e-01, v15;
	v11 =	vmul.f32 $3.000000120e-01, v13;
	v7 =	vld [tilespmem:s2+$0x240]  }
0xbd: {  	v9 =	vmul.f32 $3.000000120e-01, v16;
	v14 =	vmul.f32 $6.999999880e-01, v5;
	v6 =	vld [tilespmem:s2+$0x250]  }
0xbe: {  	s0 =	sadd.s32 $0x200, s0;
	v13 =	vmul.f32 $6.999999880e-01, v17;
	v5 =	vld [tilespmem:s2+$0x260]  }
0xbf: {  	v12 =	vadd.f32 v12, v14;
	v10 =	vmul.f32 $6.999999880e-01, v10;
	v14 =	vld [tilespmem:s2+$0x270]  }
0xc0: {  	v4 =	vmul.f32 $3.000000120e-01, v4;
	v11 =	vadd.f32 v11, v13;
	v8 =	vmul.f32 $6.999999880e-01, v8  }
0xc1: {  	v3 =	vmul.f32 $3.000000120e-01, v3;
	[tilespmem:s2+$0x200] =	vst v12;
	v9 =	vadd.f32 v9, v10;
	v7 =	vmul.f32 $6.999999880e-01, v7  }
0xc2: {  	v2 =	vmul.f32 $3.000000120e-01, v2;
	[tilespmem:s2+$0x210] =	vst v11;
	v4 =	vadd.f32 v4, v8;
	v6 =	vmul.f32 $6.999999880e-01, v6  }
0xc3: {  	v1 =	vmul.f32 $3.000000120e-01, v1;
	[tilespmem:s2+$0x220] =	vst v9;
	v3 =	vadd.f32 v3, v7;
	v5 =	vmul.f32 $6.999999880e-01, v5  }
0xc4: {  	v0 =	vmul.f32 $3.000000120e-01, v0;
	[tilespmem:s2+$0x230] =	vst v4;
	v2 =	vadd.f32 v2, v6;
	v4 =	vmul.f32 $6.999999880e-01, v14  }
0xc5: {  	[tilespmem:s2+$0x240] =	vst v3;
	v1 =	vadd.f32 v1, v5  }
0xc6: {  	[tilespmem:s2+$0x250] =	vst v2;
	v0 =	vadd.f32 v0, v4  }
0xc7: {  	[tilespmem:s2+$0x260] =	vst v1  }
0xc8: {  	s0 =	simm.s32 $0x0;
	[tilespmem:s2+$0x270] =	vst v0  }
0xc9: {  	[hbm4b:s14+s0] =	stream.linear.scatter [tilespmem:s23], [sflag:$0x4], $0x2800, $0x38;
	[tilespmem:$0xA200] =	vst v63  }
0xca: {  	_ =	swait.ge [sflag:s29], $0x2800  }
0xcb: {  	[sflag:s29] =	ssyncset.done $0x0  }
0xcc: {  	[sflag:s29] =	ssyncadd.s32 $0xFFFFD800  }
0xcd: {  	_ =	swait.ge [sflag:s29], $0x2800  }
0xce: {  	[sflag:s29] =	ssyncset.done $0x0  }
0xcf: {  	s2 =	simm.s32 $0x0;
	[sflag:s29] =	ssyncadd.s32 $0xFFFFD800  }
0xd0: {  	v5 =	vld [tilespmem:s2+$0x7A00]  }
0xd1: {  	v6 =	vld [tilespmem:s2+$0x7A10]  }
0xd2: {  	v9 =	vld [tilespmem:s2+$0x7A20]  }
0xd3: {  	v4 =	vld [tilespmem:s2+$0x7A30]  }
0xd4: {  	v3 =	vld [tilespmem:s2+$0x7A40]  }
0xd5: {  	v2 =	vld [tilespmem:s2+$0x7A50]  }
0xd6: {  	v1 =	vld [tilespmem:s2+$0x7A60]  }
0xd7: {  	v0 =	vld [tilespmem:s2+$0x7A70]  }
0xd8: {  	v13 =	vld [tilespmem:s2+$0x2A00]  }
0xd9: {  	v15 =	vld [tilespmem:s2+$0x2A10]  }
0xda: {  	v10 =	vld [tilespmem:s2+$0x2A20]  }
0xdb: {  	v8 =	vld [tilespmem:s2+$0x2A30]  }
0xdc: {  	v7 =	vld [tilespmem:s2+$0x2A40];
	v12 =	vmul.f32 $3.000000120e-01, v5  }
0xdd: {  	s0 =	simm.s32 $0x200;
	v11 =	vmul.f32 $3.000000120e-01, v6;
	v6 =	vld [tilespmem:s2+$0x2A50];
	v14 =	vmul.f32 $6.999999880e-01, v13  }
0xde: {  	v9 =	vmul.f32 $3.000000120e-01, v9;
	v13 =	vmul.f32 $6.999999880e-01, v15;
	v5 =	vld [tilespmem:s2+$0x2A60]  }
.LBB2_8:
0xdf: {  	s4 =	sshra.s32 s0, $0x2;
	p0 =	sne.s32 s0, $0x9E00;
	v12 =	vadd.f32 v12, v14;
	v10 =	vmul.f32 $6.999999880e-01, v10;
	v14 =	vld [tilespmem:s2+$0x2A70]  }
0xe0: {  	v4 =	vmul.f32 $3.000000120e-01, v4;
	v15 =	vld [tilespmem:s4+$0x7A00];
	v11 =	vadd.f32 v11, v13;
	v8 =	vmul.f32 $6.999999880e-01, v8  }
0xe1: {  	v3 =	vmul.f32 $3.000000120e-01, v3;
	v13 =	vld [tilespmem:s4+$0x7A10];
	[tilespmem:s2+$0x2A00] =	vst v12;
	v9 =	vadd.f32 v9, v10;
	v7 =	vmul.f32 $6.999999880e-01, v7  }
0xe2: {  	v2 =	vmul.f32 $3.000000120e-01, v2;
	v16 =	vld [tilespmem:s4+$0x7A20];
	[tilespmem:s2+$0x2A10] =	vst v11;
	v8 =	vadd.f32 v4, v8;
	v6 =	vmul.f32 $6.999999880e-01, v6  }
0xe3: {  	v1 =	vmul.f32 $3.000000120e-01, v1;
	v4 =	vld [tilespmem:s4+$0x7A30];
	[tilespmem:s2+$0x2A20] =	vst v9;
	v7 =	vadd.f32 v3, v7;
	v5 =	vmul.f32 $6.999999880e-01, v5  }
0xe4: {  	v0 =	vmul.f32 $3.000000120e-01, v0;
	v3 =	vld [tilespmem:s4+$0x7A40];
	[tilespmem:s2+$0x2A30] =	vst v8;
	v6 =	vadd.f32 v2, v6;
	v8 =	vmul.f32 $6.999999880e-01, v14  }
0xe5: {  	v2 =	vld [tilespmem:s4+$0x7A50];
	[tilespmem:s2+$0x2A40] =	vst v7;
	v5 =	vadd.f32 v1, v5  }
0xe6: {  	v1 =	vld [tilespmem:s4+$0x7A60];
	[tilespmem:s2+$0x2A50] =	vst v6;
	v6 =	vadd.f32 v0, v8  }
0xe7: {  	v0 =	vld [tilespmem:s4+$0x7A70];
	[tilespmem:s2+$0x2A60] =	vst v5  }
0xe8: {  	v5 =	vld [tilespmem:s4+$0x2A00];
	[tilespmem:s2+$0x2A70] =	vst v6;
	s2 =	smov.u32 s4  }
0xe9: {  	v17 =	vld [tilespmem:s2+$0x2A10]  }
.Ltmp3:
0xea: {  	v10 =	vld [tilespmem:s2+$0x2A20];
	(pc) =	sbr.rel @p0 .LBB2_8-.Ltmp3, $4  }
0xeb: {  	v8 =	vld [tilespmem:s2+$0x2A30]  }
0xec: {  	v12 =	vmul.f32 $3.000000120e-01, v15;
	v11 =	vmul.f32 $3.000000120e-01, v13;
	v7 =	vld [tilespmem:s2+$0x2A40]  }
0xed: {  	v9 =	vmul.f32 $3.000000120e-01, v16;
	v14 =	vmul.f32 $6.999999880e-01, v5;
	v6 =	vld [tilespmem:s2+$0x2A50]  }
0xee: {  	s0 =	sadd.s32 $0x200, s0;
	v13 =	vmul.f32 $6.999999880e-01, v17;
	v5 =	vld [tilespmem:s2+$0x2A60]  }
0xef: {  	v12 =	vadd.f32 v12, v14;
	v10 =	vmul.f32 $6.999999880e-01, v10;
	v62 =	vld [tilespmem:s2+$0x2A70]  }
0xf0: {  	v4 =	vmul.f32 $3.000000120e-01, v4;
	v11 =	vadd.f32 v11, v13;
	v8 =	vmul.f32 $6.999999880e-01, v8  }
0xf1: {  	v3 =	vmul.f32 $3.000000120e-01, v3;
	[tilespmem:s2+$0x2A00] =	vst v12;
	v9 =	vadd.f32 v9, v10;
	v7 =	vmul.f32 $6.999999880e-01, v7  }
0xf2: {  	v2 =	vmul.f32 $3.000000120e-01, v2;
	[tilespmem:s2+$0x2A10] =	vst v11;
	v4 =	vadd.f32 v4, v8;
	v6 =	vmul.f32 $6.999999880e-01, v6  }
0xf3: {  	v1 =	vmul.f32 $3.000000120e-01, v1;
	[tilespmem:s2+$0x2A20] =	vst v9;
	v3 =	vadd.f32 v3, v7;
	v5 =	vmul.f32 $6.999999880e-01, v5  }
0xf4: {  	v0 =	vmul.f32 $3.000000120e-01, v0;
	[tilespmem:s2+$0x2A30] =	vst v4;
	v2 =	vadd.f32 v2, v6;
	v63 =	vmul.f32 $6.999999880e-01, v62  }
0xf5: {  	[tilespmem:s2+$0x2A40] =	vst v3;
	v1 =	vadd.f32 v1, v5  }
0xf6: {  	[tilespmem:s2+$0x2A50] =	vst v2;
	v0 =	vadd.f32 v0, v63  }
0xf7: {  	[tilespmem:s2+$0x2A60] =	vst v1  }
0xf8: {  	s31 =	sadd.s32 $0x1, s31;
	[tilespmem:s2+$0x2A70] =	vst v0  }
0xf9: {  	[hbm4b:s15+s3] =	stream.linear.scatter [tilespmem:s25], [sflag:$0x5], $0x2800, $0x38;
	[tilespmem:$0xA200] =	vst v63  }
0xfa: {  	p0 =	sne.s32 s31, s16;
	_ =	swait.ge [sflag:s28], $0x2800  }
.Ltmp4:
0xfb: {  	[sflag:s28] =	ssyncset.done $0x0;
	(pc) =	sbr.rel @p0 .LBB2_1-.Ltmp4, $4  }
0xfc: {  	[sflag:s28] =	ssyncadd.s32 $0xFFFFD800  }
0xfd: {  	_ =	swait.ge [sflag:s30], $0x2800  }
0xfe: {  	[sflag:s30] =	ssyncset.done $0x0  }
0xff: {  	[sflag:s30] =	ssyncadd.s32 $0xFFFFD800  }
0x100: {  	_ =	sfence.sel $0x180000  }
0x101: {  	[bflag:$0x0] =	sbarrier.arrive $0xFFFF  }
0x102: {  	_ =	strace $0x90000047  }
0x103: {  	s0 =	stileid.u32;
	[bflag:$0x2] =	sbarrier.arrive $0xFFFF  }
0x104: {  	p0 =	sne.s32 s0, $0x0;
	s0 =	rddreg [dreg:$0x3]  }
0x105: {  	s0 =	sadd.s32 @!p0 $0x100000, s0  }
0x106: {  	[sflag:s0] =	ssyncadd.tile.s32 @!p0 $0x1;
	_ =	shalt  }
.Lfunc_end2:
_tile_overlayer_lowered:
.L_overlay_start_2:
0x107: {  	(tag) =	ssettag $0x2  }
0x108: {  	s0 =	rddreg [dreg:$0x0];
	s2 =	stileid.u32  }
0x109: {  	s1 =	rddreg [dreg:$0x1];
	p0 =	sne.s32 s2, $0x0  }
0x10a: {  	s3 =	rddreg [dreg:$0x2];
	[bflag:$0x3] =	sbarrier.arrive $0xFFFF;
	s2 =	simm.s32 @!p0 $0x1C06  }
0x10b: {  	[timem:s3], [sflag:s2] =	dma.local @!p0 [hbm:s0], s1  }
0x10c: {  	s0 =	simm.s32 @!p0 $0x6  }
0x10d: {  	_ =	swait.ge @!p0 [sflag:s0], s1  }
0x10e: {  	s1 =	ssub.s32 @!p0 $0x0, s1;
	[sflag:s0] =	ssyncset.done @!p0 $0x0  }
0x10f: {  	[sflag:s0] =	ssyncadd.s32 @!p0 s1  }
0x110: {  	[bflag:$0x3] =	sbarrier.arrive $0xFFFF  }
0x111: {  	_ =	shalt  }

</sc_bundles>
